<compile_context>
chip_gen: v7x
topology: tpu7x:2x2x1
jax: 0.10.2.dev20260603
libtpu: 0.0.44.dev20260713+nightly
codegen_flags: <defaults>
</compile_context>

<pallas_src>
import jax
import jax.numpy as jnp
from jax import lax
from jax.experimental import pallas as pl
from jax.experimental.pallas import tpu as pltpu
from jax.experimental.pallas import tpu_sc as plsc

N_NODES = 10000
N_EDGES = 160000
D_EDGE = 16
WIDTH = 32

NC = 2
NS = 16
NW = NC * NS

EW_G = N_EDGES // NW
C_G = 1000
NCH_G = EW_G // C_G


NSLOT = 3


XROWS_T = N_NODES // NS


def _gather_body(x_hbm, snd_hbm, out_hbm, idx_v, r0, r1, r2, xs_sh,
                 g0, g1, g2, w0, w1, w2):
    rows = [r0, r1, r2]
    gsem = [g0, g1, g2]
    wsem = [w0, w1, w2]
    sid = lax.axis_index("s")
    wid = sid * NC + lax.axis_index("c")
    base = wid * EW_G

    pltpu.sync_copy(x_hbm.at[pl.ds(sid * XROWS_T, XROWS_T)],
                    xs_sh.at[pl.ds(sid * XROWS_T, XROWS_T)])
    pltpu.sync_copy(snd_hbm.at[pl.ds(base, EW_G)], idx_v)
    plsc.subcore_barrier()

    def start_g(i):
        s = i % NSLOT
        return pltpu.async_copy(
            xs_sh.at[idx_v.at[pl.ds(i * C_G, C_G)]], rows[s], gsem[s])

    gets = {i: start_g(i) for i in range(min(NSLOT, NCH_G))}
    puts = {}
    for i in range(NCH_G):
        s = i % NSLOT
        gets[i].wait()
        puts[i] = pltpu.async_copy(
            rows[s], out_hbm.at[pl.ds(base + i * C_G, C_G)], wsem[s])
        if i + NSLOT < NCH_G:
            puts[i].wait()
            gets[i + NSLOT] = start_g(i + NSLOT)
    for i in range(max(0, NCH_G - NSLOT), NCH_G):
        puts[i].wait()


def _sc_gather(x, senders):
    mesh = plsc.VectorSubcoreMesh(core_axis_name="c", subcore_axis_name="s")
    return pl.kernel(
        _gather_body,
        out_type=jax.ShapeDtypeStruct((N_EDGES, WIDTH), jnp.float32),
        mesh=mesh,
        compiler_params=pltpu.CompilerParams(use_tc_tiling_on_sc=False),
        scratch_types=[
            pltpu.VMEM((EW_G,), jnp.int32),
            pltpu.VMEM((C_G, WIDTH), jnp.float32),
            pltpu.VMEM((C_G, WIDTH), jnp.float32),
            pltpu.VMEM((C_G, WIDTH), jnp.float32),
            pltpu.VMEM_SHARED((N_NODES, WIDTH), jnp.float32),
            pltpu.SemaphoreType.DMA,
            pltpu.SemaphoreType.DMA,
            pltpu.SemaphoreType.DMA,
            pltpu.SemaphoreType.DMA,
            pltpu.SemaphoreType.DMA,
            pltpu.SemaphoreType.DMA,
        ],
    )(x, senders)


PACK = 4
PB = 1000
GRID_E = N_EDGES // (PACK * PB)
KZ = D_EDGE * WIDTH + WIDTH


def _mm_body(a_ref, xp_ref, s_ref, w_ref, o_ref):
    ap = a_ref[...].astype(jnp.bfloat16)
    xp = xp_ref[...].astype(jnp.bfloat16)
    a_rep = jnp.dot(ap, s_ref[...],
                    preferred_element_type=jnp.float32).astype(jnp.bfloat16)
    xt = jnp.concatenate(
        [jnp.concatenate([xp[:, c * WIDTH:(c + 1) * WIDTH]] * D_EDGE, axis=1)
         for c in range(PACK)], axis=1)
    z = jnp.concatenate([a_rep * xt, xp], axis=1)
    o_ref[...] = jnp.dot(z, w_ref[...], preferred_element_type=jnp.float32)


def _tc_matmul(edge_attr_p, x_jp, s_big, w_blk):
    return pl.pallas_call(
        _mm_body,
        grid=(GRID_E,),
        in_specs=[
            pl.BlockSpec((PB, PACK * D_EDGE), lambda i: (i, 0)),
            pl.BlockSpec((PB, PACK * WIDTH), lambda i: (i, 0)),
            pl.BlockSpec((PACK * D_EDGE, PACK * 512), lambda i: (0, 0)),
            pl.BlockSpec((PACK * KZ, PACK * WIDTH), lambda i: (0, 0)),
        ],
        out_specs=pl.BlockSpec((PB, PACK * WIDTH), lambda i: (i, 0)),
        out_shape=jax.ShapeDtypeStruct((N_EDGES // PACK, PACK * WIDTH),
                                       jnp.float32),
        compiler_params=pltpu.CompilerParams(
            dimension_semantics=("arbitrary",),
        ),
    )(edge_attr_p, x_jp, s_big, w_blk)


ACC_ROWS = 10240
DUMP = 10016
ZROWS = ACC_ROWS // NS
EW_S = N_EDGES // NW
C_S = 1000
NCH_S = EW_S // C_S
CPAD = 1008
ROWS_T = N_NODES // NS


def _scatter_body(msg_hbm, rcv_hbm, out_hbm, idx_v, m_v, buf_v, acc_sh):
    cid = lax.axis_index("c")
    sid = lax.axis_index("s")

    def z_row(i, carry):
        buf_v[i, pl.ds(0, 16)] = jnp.zeros((16,), jnp.float32)
        buf_v[i, pl.ds(16, 16)] = jnp.zeros((16,), jnp.float32)
        return carry

    lax.fori_loop(0, ZROWS, z_row, 0)
    pltpu.sync_copy(buf_v, acc_sh.at[pl.ds(sid * ZROWS, ZROWS)])
    plsc.subcore_barrier()

    lane = lax.iota(jnp.int32, 16)
    base = cid * (N_EDGES // NC) + sid * EW_S

    def chunk(ci, carry):
        off = base + ci * C_S
        pltpu.sync_copy(rcv_hbm.at[pl.ds(off, C_S)], idx_v.at[pl.ds(0, C_S)])
        pltpu.sync_copy(msg_hbm.at[pl.ds(off, C_S)], m_v.at[pl.ds(0, C_S)])
        tail = idx_v[pl.ds(CPAD - 16, 16)]
        idx_v[pl.ds(CPAD - 16, 16)] = jnp.where(lane < C_S - (CPAD - 16),
                                                tail, DUMP)
        pltpu.sync_copy(m_v, acc_sh.at[idx_v], add=True)
        return carry

    lax.fori_loop(0, NCH_S, chunk, 0)
    plsc.subcore_barrier()

    pltpu.sync_copy(acc_sh.at[pl.ds(sid * ROWS_T, ROWS_T)],
                    buf_v.at[pl.ds(0, ROWS_T)])
    pltpu.sync_copy(buf_v.at[pl.ds(0, ROWS_T)],
                    out_hbm.at[pl.ds(cid * N_NODES + sid * ROWS_T, ROWS_T)])


def _sc_scatter(msgs, receivers):
    mesh = plsc.VectorSubcoreMesh(core_axis_name="c", subcore_axis_name="s")
    return pl.kernel(
        _scatter_body,
        out_type=jax.ShapeDtypeStruct((NC * N_NODES, WIDTH), jnp.float32),
        mesh=mesh,
        compiler_params=pltpu.CompilerParams(use_tc_tiling_on_sc=False),
        scratch_types=[
            pltpu.VMEM((CPAD,), jnp.int32),
            pltpu.VMEM((CPAD, WIDTH), jnp.float32),
            pltpu.VMEM((ZROWS, WIDTH), jnp.float32),
            pltpu.VMEM_SHARED((ACC_ROWS, WIDTH), jnp.float32),
        ],
    )(msgs, receivers)


PN = N_NODES * WIDTH // 128


def _comb_body(p_ref, o_ref):
    o_ref[...] = p_ref[pl.ds(0, PN), :] + p_ref[pl.ds(PN, PN), :]


def _tc_combine(partials_p):
    return pl.pallas_call(
        _comb_body,
        grid=(1,),
        in_specs=[pl.BlockSpec((NC * PN, 128), lambda i: (0, 0))],
        out_specs=pl.BlockSpec((PN, 128), lambda i: (0, 0)),
        out_shape=jax.ShapeDtypeStruct((PN, 128), jnp.float32),
    )(partials_p)


def kernel(x, senders, receivers, edge_attr, W_nn, b_nn):
    w_r = W_nn.reshape(D_EDGE * WIDTH, WIDTH)
    b_r = b_nn.reshape(WIDTH, WIDTH)
    w_blk = jnp.concatenate(
        [jax.scipy.linalg.block_diag(*([w_r.astype(jnp.bfloat16)] * PACK)),
         jax.scipy.linalg.block_diag(*([b_r.astype(jnp.bfloat16)] * PACK))],
        axis=0)
    s_mat = (jnp.arange(D_EDGE * WIDTH)[None, :] // WIDTH
             == jnp.arange(D_EDGE)[:, None]).astype(jnp.bfloat16)
    s_big = jax.scipy.linalg.block_diag(*([s_mat] * PACK))
    x_j = _sc_gather(x, senders)
    x_jp = x_j.reshape(N_EDGES // PACK, PACK * WIDTH)
    a_p = edge_attr.reshape(N_EDGES // PACK, PACK * D_EDGE)
    msgs_p = _tc_matmul(a_p, x_jp, s_big, w_blk)
    msgs = msgs_p.reshape(N_EDGES, WIDTH)
    partials = _sc_scatter(msgs, receivers)
    partials_p = partials.reshape(NC * PN, 128)
    return _tc_combine(partials_p).reshape(N_NODES, WIDTH)

# --- scband reference (transcript-rebuilt; emitter-appended) ---
"""Pipeline reference for scband-nnconv-87436944212625 (READ-ONLY COPY).

The authoritative reference and input builder live on the scoring server;
editing this copy changes nothing except your own understanding.
"""

import jax, jax.numpy as jnp
import numpy as np

N_NODES = 10000
N_EDGES = 160000
D_EDGE = 16
WIDTH = 32


def setup_inputs(seed: int = 0) -> dict:
    key = jax.random.key(seed)
    k1, k2, k3, k4, k5 = jax.random.split(key, 5)
    x = jax.random.normal(k1, (N_NODES, WIDTH), dtype=jnp.float32)
    senders = jax.random.randint(k2, (N_EDGES,), 0, N_NODES, dtype=jnp.int32)
    receivers = jax.random.randint(k3, (N_EDGES,), 0, N_NODES, dtype=jnp.int32)
    edge_attr = jax.random.normal(k4, (N_EDGES, D_EDGE), dtype=jnp.float32)
    # edge-conditioned weight network (single linear layer d_edge -> width*width)
    W_nn = jax.random.normal(k5, (D_EDGE, WIDTH * WIDTH), dtype=jnp.float32) * (1.0 / np.sqrt(D_EDGE))
    b_nn = jnp.zeros((WIDTH * WIDTH,), dtype=jnp.float32)
    return {"x": x, "senders": senders, "receivers": receivers, "edge_attr": edge_attr, "W_nn": W_nn, "b_nn": b_nn}


def reference(x, senders, receivers, edge_attr, W_nn, b_nn):
    # nn(edge_attr): per-edge weight matrices
    weight = edge_attr @ W_nn + b_nn            # (E, width*width)
    weight = weight.reshape(-1, WIDTH, WIDTH)    # (E, width, width)
    x_j = x[senders][:, None]                    # gather: (E, 1, width)
    msgs = jnp.matmul(x_j, weight).squeeze(1)    # (E, width)
    msg = jax.ops.segment_sum(msgs, receivers, num_segments=N_NODES)  # scatter-add
    return msg

if __name__ == "__main__":
    import jax
    _d = setup_inputs()
    print(jax.jit(kernel)(*tuple(_d.values())))

</pallas_src>

<mosaic_0001>
#map = affine_map<(d0, d1) -> (0, 0)>
#map1 = affine_map<(d0, d1) -> (0)>
module attributes {stable_mosaic.version = 14 : i64} {
  func.func @_gather_body(%arg0: i32, %arg1: i32, %arg2: memref<10000x32xf32, #tpu.memory_space<hbm>>, %arg3: memref<160000xi32, #tpu.memory_space<hbm>>, %arg4: memref<160000x32xf32, #tpu.memory_space<hbm>>, %arg5: memref<5000xi32, #tpu.memory_space<vmem>>, %arg6: memref<1000x32xf32, #tpu.memory_space<vmem>>, %arg7: memref<1000x32xf32, #tpu.memory_space<vmem>>, %arg8: memref<1000x32xf32, #tpu.memory_space<vmem>>, %arg9: memref<10000x32xf32, #tpu.memory_space<vmem_shared>>, %arg10: memref<!tpu.dma_semaphore, #tpu.memory_space<semaphore_mem>>, %arg11: memref<!tpu.dma_semaphore, #tpu.memory_space<semaphore_mem>>, %arg12: memref<!tpu.dma_semaphore, #tpu.memory_space<semaphore_mem>>, %arg13: memref<!tpu.dma_semaphore, #tpu.memory_space<semaphore_mem>>, %arg14: memref<!tpu.dma_semaphore, #tpu.memory_space<semaphore_mem>>, %arg15: memref<!tpu.dma_semaphore, #tpu.memory_space<semaphore_mem>>) attributes {dimension_semantics = [#tpu.dimension_semantics<core_parallel>, #tpu.dimension_semantics<subcore_parallel>], iteration_bounds = array<i64: 2, 16>, scalar_prefetch = 0 : i64, scratch_operands = 11 : i64, tpu.core_type = #tpu.core_type<sc_vector_subcore>, window_params = [{transform_indices = #map}, {transform_indices = #map1}, {transform_indices = #map}]} {
    %mul3A = arith.constant 2 : i32
    %mul3A_0 = arith.muli %arg1, %mul3A : i32
    %add3A = arith.addi %mul3A_0, %arg0 : i32
    %mul3A_1 = arith.constant 5000 : i32
    %mul3A_2 = arith.muli %add3A, %mul3A_1 : i32
    %mul3A_3 = arith.constant 625 : i32
    %mul3A_4 = arith.muli %arg1, %mul3A_3 : i32
    %mul3A_5 = arith.constant 625 : i32
    %mul3A_6 = arith.muli %arg1, %mul3A_5 : i32
    "tpu.region"() ({
      %run_scoped3A = tpu.sem_alloc : memref<!tpu.dma_semaphore, #tpu.memory_space<semaphore_mem>>
      %dma_start3A_105 = arith.constant 0 : i32
      %dma_start3A_106 = tpu.memref_slice %arg9[%mul3A_6, %dma_start3A_105] : memref<10000x32xf32, #tpu.memory_space<vmem_shared>> -> memref<625x32xf32, #tpu.memory_space<vmem_shared>>
      %dma_start3A_107 = arith.constant 0 : i32
      %dma_start3A_108 = tpu.memref_slice %arg2[%mul3A_4, %dma_start3A_107] : memref<10000x32xf32, #tpu.memory_space<hbm>> -> memref<625x32xf32, #tpu.memory_space<hbm>>
      tpu.enqueue_dma source(%dma_start3A_108 : memref<625x32xf32, #tpu.memory_space<hbm>>) target(%dma_start3A_106 : memref<625x32xf32, #tpu.memory_space<vmem_shared>>) target_semaphore(%run_scoped3A : memref<!tpu.dma_semaphore, #tpu.memory_space<semaphore_mem>>)
      %dma_wait3A_109 = arith.constant 0 : i32
      %dma_wait3A_110 = tpu.memref_slice %arg9[%mul3A_6, %dma_wait3A_109] : memref<10000x32xf32, #tpu.memory_space<vmem_shared>> -> memref<625x32xf32, #tpu.memory_space<vmem_shared>>
      %dma_wait3A_111 = arith.constant 0 : i32
      %dma_wait3A_112 = tpu.memref_slice %arg2[%mul3A_4, %dma_wait3A_111] : memref<10000x32xf32, #tpu.memory_space<hbm>> -> memref<625x32xf32, #tpu.memory_space<hbm>>
      tpu.wait_dma2 semaphore(%run_scoped3A : memref<!tpu.dma_semaphore, #tpu.memory_space<semaphore_mem>>) src(%dma_wait3A_112 : memref<625x32xf32, #tpu.memory_space<hbm>>) dst(%dma_wait3A_110 : memref<625x32xf32, #tpu.memory_space<vmem_shared>>)
      tpu.yield
    }) : () -> ()
    "tpu.region"() ({
      %run_scoped3A = tpu.sem_alloc : memref<!tpu.dma_semaphore, #tpu.memory_space<semaphore_mem>>
      %dma_start3A_105 = tpu.memref_slice %arg3[%mul3A_2] : memref<160000xi32, #tpu.memory_space<hbm>> -> memref<5000xi32, #tpu.memory_space<hbm>>
      %dma_start3A_106 = tpu.memref_slice %arg3[%mul3A_2] : memref<160000xi32, #tpu.memory_space<hbm>> -> memref<5000xi32, #tpu.memory_space<hbm>>
      tpu.enqueue_dma source(%dma_start3A_106 : memref<5000xi32, #tpu.memory_space<hbm>>) target(%arg5 : memref<5000xi32, #tpu.memory_space<vmem>>) target_semaphore(%run_scoped3A : memref<!tpu.dma_semaphore, #tpu.memory_space<semaphore_mem>>)
      %dma_wait3A_107 = tpu.memref_slice %arg3[%mul3A_2] : memref<160000xi32, #tpu.memory_space<hbm>> -> memref<5000xi32, #tpu.memory_space<hbm>>
      %dma_wait3A_108 = tpu.memref_slice %arg3[%mul3A_2] : memref<160000xi32, #tpu.memory_space<hbm>> -> memref<5000xi32, #tpu.memory_space<hbm>>
      tpu.wait_dma2 semaphore(%run_scoped3A : memref<!tpu.dma_semaphore, #tpu.memory_space<semaphore_mem>>) src(%dma_wait3A_108 : memref<5000xi32, #tpu.memory_space<hbm>>) dst(%arg5 : memref<5000xi32, #tpu.memory_space<vmem>>)
      tpu.yield
    }) : () -> ()
    %barrier3A = arith.constant 0 : index
    tpu.barrier barrier_id(%barrier3A)
    %dma_start3A = arith.constant 0 : i32
    %dma_start3A_7 = tpu.memref_slice %arg5[%dma_start3A] : memref<5000xi32, #tpu.memory_space<vmem>> -> memref<1000xi32, #tpu.memory_space<vmem>>
    %dma_start3A_8 = arith.constant 0 : i32
    %dma_start3A_9 = arith.constant 0 : i32
    %dma_start3A_10 = tpu.memref_slice %arg9[%dma_start3A_8, %dma_start3A_9] : memref<10000x32xf32, #tpu.memory_space<vmem_shared>> -> memref<10000x32xf32, #tpu.memory_space<vmem_shared>>
    tpu.enqueue_indirect_dma source(%dma_start3A_10 : memref<10000x32xf32, #tpu.memory_space<vmem_shared>>) target(%arg6 : memref<1000x32xf32, #tpu.memory_space<vmem>>) offsets(%dma_start3A_7 : memref<1000xi32, #tpu.memory_space<vmem>>) semaphore(%arg10 : memref<!tpu.dma_semaphore, #tpu.memory_space<semaphore_mem>>)
    %dma_start3A_11 = arith.constant 1000 : i32
    %dma_start3A_12 = tpu.memref_slice %arg5[%dma_start3A_11] : memref<5000xi32, #tpu.memory_space<vmem>> -> memref<1000xi32, #tpu.memory_space<vmem>>
    %dma_start3A_13 = arith.constant 0 : i32
    %dma_start3A_14 = arith.constant 0 : i32
    %dma_start3A_15 = tpu.memref_slice %arg9[%dma_start3A_13, %dma_start3A_14] : memref<10000x32xf32, #tpu.memory_space<vmem_shared>> -> memref<10000x32xf32, #tpu.memory_space<vmem_shared>>
    tpu.enqueue_indirect_dma source(%dma_start3A_15 : memref<10000x32xf32, #tpu.memory_space<vmem_shared>>) target(%arg7 : memref<1000x32xf32, #tpu.memory_space<vmem>>) offsets(%dma_start3A_12 : memref<1000xi32, #tpu.memory_space<vmem>>) semaphore(%arg11 : memref<!tpu.dma_semaphore, #tpu.memory_space<semaphore_mem>>)
    %dma_start3A_16 = arith.constant 2000 : i32
    %dma_start3A_17 = tpu.memref_slice %arg5[%dma_start3A_16] : memref<5000xi32, #tpu.memory_space<vmem>> -> memref<1000xi32, #tpu.memory_space<vmem>>
    %dma_start3A_18 = arith.constant 0 : i32
    %dma_start3A_19 = arith.constant 0 : i32
    %dma_start3A_20 = tpu.memref_slice %arg9[%dma_start3A_18, %dma_start3A_19] : memref<10000x32xf32, #tpu.memory_space<vmem_shared>> -> memref<10000x32xf32, #tpu.memory_space<vmem_shared>>
    tpu.enqueue_indirect_dma source(%dma_start3A_20 : memref<10000x32xf32, #tpu.memory_space<vmem_shared>>) target(%arg8 : memref<1000x32xf32, #tpu.memory_space<vmem>>) offsets(%dma_start3A_17 : memref<1000xi32, #tpu.memory_space<vmem>>) semaphore(%arg12 : memref<!tpu.dma_semaphore, #tpu.memory_space<semaphore_mem>>)
    %dma_wait3A = arith.constant 0 : i32
    %dma_wait3A_21 = tpu.memref_slice %arg5[%dma_wait3A] : memref<5000xi32, #tpu.memory_space<vmem>> -> memref<1000xi32, #tpu.memory_space<vmem>>
    %dma_wait3A_22 = arith.constant 0 : i32
    %dma_wait3A_23 = arith.constant 0 : i32
    %dma_wait3A_24 = tpu.memref_slice %arg9[%dma_wait3A_22, %dma_wait3A_23] : memref<10000x32xf32, #tpu.memory_space<vmem_shared>> -> memref<10000x32xf32, #tpu.memory_space<vmem_shared>>
    tpu.wait_indirect_dma semaphore(%arg10 : memref<!tpu.dma_semaphore, #tpu.memory_space<semaphore_mem>>) src(%dma_wait3A_24 : memref<10000x32xf32, #tpu.memory_space<vmem_shared>>) dst(%arg6 : memref<1000x32xf32, #tpu.memory_space<vmem>>)
    %add3A_25 = arith.constant 0 : i32
    %add3A_26 = arith.addi %mul3A_2, %add3A_25 : i32
    %dma_start3A_27 = arith.constant 0 : i32
    %dma_start3A_28 = tpu.memref_slice %arg4[%add3A_26, %dma_start3A_27] : memref<160000x32xf32, #tpu.memory_space<hbm>> -> memref<1000x32xf32, #tpu.memory_space<hbm>>
    %dma_start3A_29 = arith.constant 0 : i32
    %dma_start3A_30 = tpu.memref_slice %arg4[%add3A_26, %dma_start3A_29] : memref<160000x32xf32, #tpu.memory_space<hbm>> -> memref<1000x32xf32, #tpu.memory_space<hbm>>
    tpu.enqueue_dma source(%arg6 : memref<1000x32xf32, #tpu.memory_space<vmem>>) target(%dma_start3A_30 : memref<1000x32xf32, #tpu.memory_space<hbm>>) target_semaphore(%arg13 : memref<!tpu.dma_semaphore, #tpu.memory_space<semaphore_mem>>)
    %dma_wait3A_31 = arith.constant 0 : i32
    %dma_wait3A_32 = tpu.memref_slice %arg4[%add3A_26, %dma_wait3A_31] : memref<160000x32xf32, #tpu.memory_space<hbm>> -> memref<1000x32xf32, #tpu.memory_space<hbm>>
    %dma_wait3A_33 = arith.constant 0 : i32
    %dma_wait3A_34 = tpu.memref_slice %arg4[%add3A_26, %dma_wait3A_33] : memref<160000x32xf32, #tpu.memory_space<hbm>> -> memref<1000x32xf32, #tpu.memory_space<hbm>>
    tpu.wait_dma2 semaphore(%arg13 : memref<!tpu.dma_semaphore, #tpu.memory_space<semaphore_mem>>) src(%arg6 : memref<1000x32xf32, #tpu.memory_space<vmem>>) dst(%dma_wait3A_34 : memref<1000x32xf32, #tpu.memory_space<hbm>>)
    %dma_start3A_35 = arith.constant 3000 : i32
    %dma_start3A_36 = tpu.memref_slice %arg5[%dma_start3A_35] : memref<5000xi32, #tpu.memory_space<vmem>> -> memref<1000xi32, #tpu.memory_space<vmem>>
    %dma_start3A_37 = arith.constant 0 : i32
    %dma_start3A_38 = arith.constant 0 : i32
    %dma_start3A_39 = tpu.memref_slice %arg9[%dma_start3A_37, %dma_start3A_38] : memref<10000x32xf32, #tpu.memory_space<vmem_shared>> -> memref<10000x32xf32, #tpu.memory_space<vmem_shared>>
    tpu.enqueue_indirect_dma source(%dma_start3A_39 : memref<10000x32xf32, #tpu.memory_space<vmem_shared>>) target(%arg6 : memref<1000x32xf32, #tpu.memory_space<vmem>>) offsets(%dma_start3A_36 : memref<1000xi32, #tpu.memory_space<vmem>>) semaphore(%arg10 : memref<!tpu.dma_semaphore, #tpu.memory_space<semaphore_mem>>)
    %dma_wait3A_40 = arith.constant 1000 : i32
    %dma_wait3A_41 = tpu.memref_slice %arg5[%dma_wait3A_40] : memref<5000xi32, #tpu.memory_space<vmem>> -> memref<1000xi32, #tpu.memory_space<vmem>>
    %dma_wait3A_42 = arith.constant 0 : i32
    %dma_wait3A_43 = arith.constant 0 : i32
    %dma_wait3A_44 = tpu.memref_slice %arg9[%dma_wait3A_42, %dma_wait3A_43] : memref<10000x32xf32, #tpu.memory_space<vmem_shared>> -> memref<10000x32xf32, #tpu.memory_space<vmem_shared>>
    tpu.wait_indirect_dma semaphore(%arg11 : memref<!tpu.dma_semaphore, #tpu.memory_space<semaphore_mem>>) src(%dma_wait3A_44 : memref<10000x32xf32, #tpu.memory_space<vmem_shared>>) dst(%arg7 : memref<1000x32xf32, #tpu.memory_space<vmem>>)
    %add3A_45 = arith.constant 1000 : i32
    %add3A_46 = arith.addi %mul3A_2, %add3A_45 : i32
    %dma_start3A_47 = arith.constant 0 : i32
    %dma_start3A_48 = tpu.memref_slice %arg4[%add3A_46, %dma_start3A_47] : memref<160000x32xf32, #tpu.memory_space<hbm>> -> memref<1000x32xf32, #tpu.memory_space<hbm>>
    %dma_start3A_49 = arith.constant 0 : i32
    %dma_start3A_50 = tpu.memref_slice %arg4[%add3A_46, %dma_start3A_49] : memref<160000x32xf32, #tpu.memory_space<hbm>> -> memref<1000x32xf32, #tpu.memory_space<hbm>>
    tpu.enqueue_dma source(%arg7 : memref<1000x32xf32, #tpu.memory_space<vmem>>) target(%dma_start3A_50 : memref<1000x32xf32, #tpu.memory_space<hbm>>) target_semaphore(%arg14 : memref<!tpu.dma_semaphore, #tpu.memory_space<semaphore_mem>>)
    %dma_wait3A_51 = arith.constant 0 : i32
    %dma_wait3A_52 = tpu.memref_slice %arg4[%add3A_46, %dma_wait3A_51] : memref<160000x32xf32, #tpu.memory_space<hbm>> -> memref<1000x32xf32, #tpu.memory_space<hbm>>
    %dma_wait3A_53 = arith.constant 0 : i32
    %dma_wait3A_54 = tpu.memref_slice %arg4[%add3A_46, %dma_wait3A_53] : memref<160000x32xf32, #tpu.memory_space<hbm>> -> memref<1000x32xf32, #tpu.memory_space<hbm>>
    tpu.wait_dma2 semaphore(%arg14 : memref<!tpu.dma_semaphore, #tpu.memory_space<semaphore_mem>>) src(%arg7 : memref<1000x32xf32, #tpu.memory_space<vmem>>) dst(%dma_wait3A_54 : memref<1000x32xf32, #tpu.memory_space<hbm>>)
    %dma_start3A_55 = arith.constant 4000 : i32
    %dma_start3A_56 = tpu.memref_slice %arg5[%dma_start3A_55] : memref<5000xi32, #tpu.memory_space<vmem>> -> memref<1000xi32, #tpu.memory_space<vmem>>
    %dma_start3A_57 = arith.constant 0 : i32
    %dma_start3A_58 = arith.constant 0 : i32
    %dma_start3A_59 = tpu.memref_slice %arg9[%dma_start3A_57, %dma_start3A_58] : memref<10000x32xf32, #tpu.memory_space<vmem_shared>> -> memref<10000x32xf32, #tpu.memory_space<vmem_shared>>
    tpu.enqueue_indirect_dma source(%dma_start3A_59 : memref<10000x32xf32, #tpu.memory_space<vmem_shared>>) target(%arg7 : memref<1000x32xf32, #tpu.memory_space<vmem>>) offsets(%dma_start3A_56 : memref<1000xi32, #tpu.memory_space<vmem>>) semaphore(%arg11 : memref<!tpu.dma_semaphore, #tpu.memory_space<semaphore_mem>>)
    %dma_wait3A_60 = arith.constant 2000 : i32
    %dma_wait3A_61 = tpu.memref_slice %arg5[%dma_wait3A_60] : memref<5000xi32, #tpu.memory_space<vmem>> -> memref<1000xi32, #tpu.memory_space<vmem>>
    %dma_wait3A_62 = arith.constant 0 : i32
    %dma_wait3A_63 = arith.constant 0 : i32
    %dma_wait3A_64 = tpu.memref_slice %arg9[%dma_wait3A_62, %dma_wait3A_63] : memref<10000x32xf32, #tpu.memory_space<vmem_shared>> -> memref<10000x32xf32, #tpu.memory_space<vmem_shared>>
    tpu.wait_indirect_dma semaphore(%arg12 : memref<!tpu.dma_semaphore, #tpu.memory_space<semaphore_mem>>) src(%dma_wait3A_64 : memref<10000x32xf32, #tpu.memory_space<vmem_shared>>) dst(%arg8 : memref<1000x32xf32, #tpu.memory_space<vmem>>)
    %add3A_65 = arith.constant 2000 : i32
    %add3A_66 = arith.addi %mul3A_2, %add3A_65 : i32
    %dma_start3A_67 = arith.constant 0 : i32
    %dma_start3A_68 = tpu.memref_slice %arg4[%add3A_66, %dma_start3A_67] : memref<160000x32xf32, #tpu.memory_space<hbm>> -> memref<1000x32xf32, #tpu.memory_space<hbm>>
    %dma_start3A_69 = arith.constant 0 : i32
    %dma_start3A_70 = tpu.memref_slice %arg4[%add3A_66, %dma_start3A_69] : memref<160000x32xf32, #tpu.memory_space<hbm>> -> memref<1000x32xf32, #tpu.memory_space<hbm>>
    tpu.enqueue_dma source(%arg8 : memref<1000x32xf32, #tpu.memory_space<vmem>>) target(%dma_start3A_70 : memref<1000x32xf32, #tpu.memory_space<hbm>>) target_semaphore(%arg15 : memref<!tpu.dma_semaphore, #tpu.memory_space<semaphore_mem>>)
    %dma_wait3A_71 = arith.constant 3000 : i32
    %dma_wait3A_72 = tpu.memref_slice %arg5[%dma_wait3A_71] : memref<5000xi32, #tpu.memory_space<vmem>> -> memref<1000xi32, #tpu.memory_space<vmem>>
    %dma_wait3A_73 = arith.constant 0 : i32
    %dma_wait3A_74 = arith.constant 0 : i32
    %dma_wait3A_75 = tpu.memref_slice %arg9[%dma_wait3A_73, %dma_wait3A_74] : memref<10000x32xf32, #tpu.memory_space<vmem_shared>> -> memref<10000x32xf32, #tpu.memory_space<vmem_shared>>
    tpu.wait_indirect_dma semaphore(%arg10 : memref<!tpu.dma_semaphore, #tpu.memory_space<semaphore_mem>>) src(%dma_wait3A_75 : memref<10000x32xf32, #tpu.memory_space<vmem_shared>>) dst(%arg6 : memref<1000x32xf32, #tpu.memory_space<vmem>>)
    %add3A_76 = arith.constant 3000 : i32
    %add3A_77 = arith.addi %mul3A_2, %add3A_76 : i32
    %dma_start3A_78 = arith.constant 0 : i32
    %dma_start3A_79 = tpu.memref_slice %arg4[%add3A_77, %dma_start3A_78] : memref<160000x32xf32, #tpu.memory_space<hbm>> -> memref<1000x32xf32, #tpu.memory_space<hbm>>
    %dma_start3A_80 = arith.constant 0 : i32
    %dma_start3A_81 = tpu.memref_slice %arg4[%add3A_77, %dma_start3A_80] : memref<160000x32xf32, #tpu.memory_space<hbm>> -> memref<1000x32xf32, #tpu.memory_space<hbm>>
    tpu.enqueue_dma source(%arg6 : memref<1000x32xf32, #tpu.memory_space<vmem>>) target(%dma_start3A_81 : memref<1000x32xf32, #tpu.memory_space<hbm>>) target_semaphore(%arg13 : memref<!tpu.dma_semaphore, #tpu.memory_space<semaphore_mem>>)
    %dma_wait3A_82 = arith.constant 4000 : i32
    %dma_wait3A_83 = tpu.memref_slice %arg5[%dma_wait3A_82] : memref<5000xi32, #tpu.memory_space<vmem>> -> memref<1000xi32, #tpu.memory_space<vmem>>
    %dma_wait3A_84 = arith.constant 0 : i32
    %dma_wait3A_85 = arith.constant 0 : i32
    %dma_wait3A_86 = tpu.memref_slice %arg9[%dma_wait3A_84, %dma_wait3A_85] : memref<10000x32xf32, #tpu.memory_space<vmem_shared>> -> memref<10000x32xf32, #tpu.memory_space<vmem_shared>>
    tpu.wait_indirect_dma semaphore(%arg11 : memref<!tpu.dma_semaphore, #tpu.memory_space<semaphore_mem>>) src(%dma_wait3A_86 : memref<10000x32xf32, #tpu.memory_space<vmem_shared>>) dst(%arg7 : memref<1000x32xf32, #tpu.memory_space<vmem>>)
    %add3A_87 = arith.constant 4000 : i32
    %add3A_88 = arith.addi %mul3A_2, %add3A_87 : i32
    %dma_start3A_89 = arith.constant 0 : i32
    %dma_start3A_90 = tpu.memref_slice %arg4[%add3A_88, %dma_start3A_89] : memref<160000x32xf32, #tpu.memory_space<hbm>> -> memref<1000x32xf32, #tpu.memory_space<hbm>>
    %dma_start3A_91 = arith.constant 0 : i32
    %dma_start3A_92 = tpu.memref_slice %arg4[%add3A_88, %dma_start3A_91] : memref<160000x32xf32, #tpu.memory_space<hbm>> -> memref<1000x32xf32, #tpu.memory_space<hbm>>
    tpu.enqueue_dma source(%arg7 : memref<1000x32xf32, #tpu.memory_space<vmem>>) target(%dma_start3A_92 : memref<1000x32xf32, #tpu.memory_space<hbm>>) target_semaphore(%arg14 : memref<!tpu.dma_semaphore, #tpu.memory_space<semaphore_mem>>)
    %dma_wait3A_93 = arith.constant 0 : i32
    %dma_wait3A_94 = tpu.memref_slice %arg4[%add3A_66, %dma_wait3A_93] : memref<160000x32xf32, #tpu.memory_space<hbm>> -> memref<1000x32xf32, #tpu.memory_space<hbm>>
    %dma_wait3A_95 = arith.constant 0 : i32
    %dma_wait3A_96 = tpu.memref_slice %arg4[%add3A_66, %dma_wait3A_95] : memref<160000x32xf32, #tpu.memory_space<hbm>> -> memref<1000x32xf32, #tpu.memory_space<hbm>>
    tpu.wait_dma2 semaphore(%arg15 : memref<!tpu.dma_semaphore, #tpu.memory_space<semaphore_mem>>) src(%arg8 : memref<1000x32xf32, #tpu.memory_space<vmem>>) dst(%dma_wait3A_96 : memref<1000x32xf32, #tpu.memory_space<hbm>>)
    %dma_wait3A_97 = arith.constant 0 : i32
    %dma_wait3A_98 = tpu.memref_slice %arg4[%add3A_77, %dma_wait3A_97] : memref<160000x32xf32, #tpu.memory_space<hbm>> -> memref<1000x32xf32, #tpu.memory_space<hbm>>
    %dma_wait3A_99 = arith.constant 0 : i32
    %dma_wait3A_100 = tpu.memref_slice %arg4[%add3A_77, %dma_wait3A_99] : memref<160000x32xf32, #tpu.memory_space<hbm>> -> memref<1000x32xf32, #tpu.memory_space<hbm>>
    tpu.wait_dma2 semaphore(%arg13 : memref<!tpu.dma_semaphore, #tpu.memory_space<semaphore_mem>>) src(%arg6 : memref<1000x32xf32, #tpu.memory_space<vmem>>) dst(%dma_wait3A_100 : memref<1000x32xf32, #tpu.memory_space<hbm>>)
    %dma_wait3A_101 = arith.constant 0 : i32
    %dma_wait3A_102 = tpu.memref_slice %arg4[%add3A_88, %dma_wait3A_101] : memref<160000x32xf32, #tpu.memory_space<hbm>> -> memref<1000x32xf32, #tpu.memory_space<hbm>>
    %dma_wait3A_103 = arith.constant 0 : i32
    %dma_wait3A_104 = tpu.memref_slice %arg4[%add3A_88, %dma_wait3A_103] : memref<160000x32xf32, #tpu.memory_space<hbm>> -> memref<1000x32xf32, #tpu.memory_space<hbm>>
    tpu.wait_dma2 semaphore(%arg14 : memref<!tpu.dma_semaphore, #tpu.memory_space<semaphore_mem>>) src(%arg7 : memref<1000x32xf32, #tpu.memory_space<vmem>>) dst(%dma_wait3A_104 : memref<1000x32xf32, #tpu.memory_space<hbm>>)
    return
  }
}

#map = affine_map<(d0, d1) -> (0, 0)>
#map1 = affine_map<(d0, d1) -> (0)>
module attributes {stable_mosaic.version = 14 : i64} {
  func.func @_scatter_body(%arg0: i32, %arg1: i32, %arg2: memref<160000x32xf32, #tpu.memory_space<hbm>>, %arg3: memref<160000xi32, #tpu.memory_space<hbm>>, %arg4: memref<20000x32xf32, #tpu.memory_space<hbm>>, %arg5: memref<1008xi32, #tpu.memory_space<vmem>>, %arg6: memref<1008x32xf32, #tpu.memory_space<vmem>>, %arg7: memref<640x32xf32, #tpu.memory_space<vmem>>, %arg8: memref<10240x32xf32, #tpu.memory_space<vmem_shared>>) attributes {dimension_semantics = [#tpu.dimension_semantics<core_parallel>, #tpu.dimension_semantics<subcore_parallel>], iteration_bounds = array<i64: 2, 16>, scalar_prefetch = 0 : i64, scratch_operands = 4 : i64, tpu.core_type = #tpu.core_type<sc_vector_subcore>, window_params = [{transform_indices = #map}, {transform_indices = #map1}, {transform_indices = #map}]} {
    %scan3A = arith.constant 0 : i32
    %scan3A_0 = arith.constant 0 : i32
    %scan3A_1 = arith.constant 640 : i32
    %scan3A_2 = arith.addi %scan3A_0, %scan3A_1 : i32
    %scan3A_3 = arith.constant 1 : i32
    scf.for %scan3A_24 = %scan3A_0 to %scan3A_2 step %scan3A_3  : i32 {
      %broadcast_in_dim3A = arith.constant 0.000000e+00 : f32
      %broadcast_in_dim3A_25 = vector.broadcast %broadcast_in_dim3A : f32 to vector<16xf32>
      %swap3A = arith.index_cast %scan3A_24 : i32 to index
      %swap3A_26 = arith.constant 0 : index
      %swap3A_27 = tpu.vector_load %arg7[%swap3A, %swap3A_26] {strides = array<i32>} : memref<640x32xf32, #tpu.memory_space<vmem>>, vector<1x16xf32>,
      %swap3A_28 = vector.shape_cast %swap3A_27 : vector<1x16xf32> to vector<16xf32>
      %swap3A_29 = vector.shape_cast %broadcast_in_dim3A_25 : vector<16xf32> to vector<1x16xf32>
      tpu.vector_store %arg7[%swap3A, %swap3A_26], %swap3A_29 {strides = array<i32>} : memref<640x32xf32, #tpu.memory_space<vmem>>, vector<1x16xf32>,
      %broadcast_in_dim3A_30 = arith.constant 0.000000e+00 : f32
      %broadcast_in_dim3A_31 = vector.broadcast %broadcast_in_dim3A_30 : f32 to vector<16xf32>
      %swap3A_32 = arith.index_cast %scan3A_24 : i32 to index
      %swap3A_33 = arith.constant 16 : index
      %swap3A_34 = tpu.vector_load %arg7[%swap3A_32, %swap3A_33] {strides = array<i32>} : memref<640x32xf32, #tpu.memory_space<vmem>>, vector<1x16xf32>,
      %swap3A_35 = vector.shape_cast %swap3A_34 : vector<1x16xf32> to vector<16xf32>
      %swap3A_36 = vector.shape_cast %broadcast_in_dim3A_31 : vector<16xf32> to vector<1x16xf32>
      tpu.vector_store %arg7[%swap3A_32, %swap3A_33], %swap3A_36 {strides = array<i32>} : memref<640x32xf32, #tpu.memory_space<vmem>>, vector<1x16xf32>,
    }
    %scan3A_4 = arith.constant 640 : i32
    %mul3A = arith.constant 640 : i32
    %mul3A_5 = arith.muli %arg1, %mul3A : i32
    "tpu.region"() ({
      %run_scoped3A = tpu.sem_alloc : memref<!tpu.dma_semaphore, #tpu.memory_space<semaphore_mem>>
      %dma_start3A = arith.constant 0 : i32
      %dma_start3A_24 = tpu.memref_slice %arg8[%mul3A_5, %dma_start3A] : memref<10240x32xf32, #tpu.memory_space<vmem_shared>> -> memref<640x32xf32, #tpu.memory_space<vmem_shared>>
      %dma_start3A_25 = arith.constant 0 : i32
      %dma_start3A_26 = tpu.memref_slice %arg8[%mul3A_5, %dma_start3A_25] : memref<10240x32xf32, #tpu.memory_space<vmem_shared>> -> memref<640x32xf32, #tpu.memory_space<vmem_shared>>
      tpu.enqueue_dma source(%arg7 : memref<640x32xf32, #tpu.memory_space<vmem>>) target(%dma_start3A_26 : memref<640x32xf32, #tpu.memory_space<vmem_shared>>) target_semaphore(%run_scoped3A : memref<!tpu.dma_semaphore, #tpu.memory_space<semaphore_mem>>)
      %dma_wait3A = arith.constant 0 : i32
      %dma_wait3A_27 = tpu.memref_slice %arg8[%mul3A_5, %dma_wait3A] : memref<10240x32xf32, #tpu.memory_space<vmem_shared>> -> memref<640x32xf32, #tpu.memory_space<vmem_shared>>
      %dma_wait3A_28 = arith.constant 0 : i32
      %dma_wait3A_29 = tpu.memref_slice %arg8[%mul3A_5, %dma_wait3A_28] : memref<10240x32xf32, #tpu.memory_space<vmem_shared>> -> memref<640x32xf32, #tpu.memory_space<vmem_shared>>
      tpu.wait_dma2 semaphore(%run_scoped3A : memref<!tpu.dma_semaphore, #tpu.memory_space<semaphore_mem>>) src(%arg7 : memref<640x32xf32, #tpu.memory_space<vmem>>) dst(%dma_wait3A_29 : memref<640x32xf32, #tpu.memory_space<vmem_shared>>)
      tpu.yield
    }) : () -> ()
    %barrier3A = arith.constant 0 : index
    tpu.barrier barrier_id(%barrier3A)
    %iota3A = tpu.iota {dimensions = array<i32: 0>} : vector<16xi32>
    %mul3A_6 = arith.constant 80000 : i32
    %mul3A_7 = arith.muli %arg0, %mul3A_6 : i32
    %mul3A_8 = arith.constant 5000 : i32
    %mul3A_9 = arith.muli %arg1, %mul3A_8 : i32
    %add3A = arith.addi %mul3A_7, %mul3A_9 : i32
    %scan3A_10 = arith.constant 0 : i32
    %scan3A_11 = arith.constant 0 : i32
    %scan3A_12 = arith.constant 5 : i32
    %scan3A_13 = arith.addi %scan3A_11, %scan3A_12 : i32
    %scan3A_14 = arith.constant 1 : i32
    scf.for %scan3A_24 = %scan3A_11 to %scan3A_13 step %scan3A_14  : i32 {
      %mul3A_25 = arith.constant 1000 : i32
      %mul3A_26 = arith.muli %scan3A_24, %mul3A_25 : i32
      %add3A_27 = arith.addi %add3A, %mul3A_26 : i32
      "tpu.region"() ({
        %run_scoped3A = tpu.sem_alloc : memref<!tpu.dma_semaphore, #tpu.memory_space<semaphore_mem>>
        %dma_start3A = arith.constant 0 : i32
        %dma_start3A_35 = tpu.memref_slice %arg5[%dma_start3A] : memref<1008xi32, #tpu.memory_space<vmem>> -> memref<1000xi32, #tpu.memory_space<vmem>>
        %dma_start3A_36 = tpu.memref_slice %arg3[%add3A_27] : memref<160000xi32, #tpu.memory_space<hbm>> -> memref<1000xi32, #tpu.memory_space<hbm>>
        %dma_start3A_37 = arith.constant 0 : i32
        %dma_start3A_38 = tpu.memref_slice %arg5[%dma_start3A_37] : memref<1008xi32, #tpu.memory_space<vmem>> -> memref<1000xi32, #tpu.memory_space<vmem>>
        %dma_start3A_39 = tpu.memref_slice %arg3[%add3A_27] : memref<160000xi32, #tpu.memory_space<hbm>> -> memref<1000xi32, #tpu.memory_space<hbm>>
        tpu.enqueue_dma source(%dma_start3A_39 : memref<1000xi32, #tpu.memory_space<hbm>>) target(%dma_start3A_38 : memref<1000xi32, #tpu.memory_space<vmem>>) target_semaphore(%run_scoped3A : memref<!tpu.dma_semaphore, #tpu.memory_space<semaphore_mem>>)
        %dma_wait3A = arith.constant 0 : i32
        %dma_wait3A_40 = tpu.memref_slice %arg5[%dma_wait3A] : memref<1008xi32, #tpu.memory_space<vmem>> -> memref<1000xi32, #tpu.memory_space<vmem>>
        %dma_wait3A_41 = tpu.memref_slice %arg3[%add3A_27] : memref<160000xi32, #tpu.memory_space<hbm>> -> memref<1000xi32, #tpu.memory_space<hbm>>
        %dma_wait3A_42 = arith.constant 0 : i32
        %dma_wait3A_43 = tpu.memref_slice %arg5[%dma_wait3A_42] : memref<1008xi32, #tpu.memory_space<vmem>> -> memref<1000xi32, #tpu.memory_space<vmem>>
        %dma_wait3A_44 = tpu.memref_slice %arg3[%add3A_27] : memref<160000xi32, #tpu.memory_space<hbm>> -> memref<1000xi32, #tpu.memory_space<hbm>>
        tpu.wait_dma2 semaphore(%run_scoped3A : memref<!tpu.dma_semaphore, #tpu.memory_space<semaphore_mem>>) src(%dma_wait3A_44 : memref<1000xi32, #tpu.memory_space<hbm>>) dst(%dma_wait3A_43 : memref<1000xi32, #tpu.memory_space<vmem>>)
        tpu.yield
      }) : () -> ()
      "tpu.region"() ({
        %run_scoped3A = tpu.sem_alloc : memref<!tpu.dma_semaphore, #tpu.memory_space<semaphore_mem>>
        %dma_start3A = arith.constant 0 : i32
        %dma_start3A_35 = arith.constant 0 : i32
        %dma_start3A_36 = tpu.memref_slice %arg6[%dma_start3A, %dma_start3A_35] : memref<1008x32xf32, #tpu.memory_space<vmem>> -> memref<1000x32xf32, #tpu.memory_space<vmem>>
        %dma_start3A_37 = arith.constant 0 : i32
        %dma_start3A_38 = tpu.memref_slice %arg2[%add3A_27, %dma_start3A_37] : memref<160000x32xf32, #tpu.memory_space<hbm>> -> memref<1000x32xf32, #tpu.memory_space<hbm>>
        %dma_start3A_39 = arith.constant 0 : i32
        %dma_start3A_40 = arith.constant 0 : i32
        %dma_start3A_41 = tpu.memref_slice %arg6[%dma_start3A_39, %dma_start3A_40] : memref<1008x32xf32, #tpu.memory_space<vmem>> -> memref<1000x32xf32, #tpu.memory_space<vmem>>
        %dma_start3A_42 = arith.constant 0 : i32
        %dma_start3A_43 = tpu.memref_slice %arg2[%add3A_27, %dma_start3A_42] : memref<160000x32xf32, #tpu.memory_space<hbm>> -> memref<1000x32xf32, #tpu.memory_space<hbm>>
        tpu.enqueue_dma source(%dma_start3A_43 : memref<1000x32xf32, #tpu.memory_space<hbm>>) target(%dma_start3A_41 : memref<1000x32xf32, #tpu.memory_space<vmem>>) target_semaphore(%run_scoped3A : memref<!tpu.dma_semaphore, #tpu.memory_space<semaphore_mem>>)
        %dma_wait3A = arith.constant 0 : i32
        %dma_wait3A_44 = arith.constant 0 : i32
        %dma_wait3A_45 = tpu.memref_slice %arg6[%dma_wait3A, %dma_wait3A_44] : memref<1008x32xf32, #tpu.memory_space<vmem>> -> memref<1000x32xf32, #tpu.memory_space<vmem>>
        %dma_wait3A_46 = arith.constant 0 : i32
        %dma_wait3A_47 = tpu.memref_slice %arg2[%add3A_27, %dma_wait3A_46] : memref<160000x32xf32, #tpu.memory_space<hbm>> -> memref<1000x32xf32, #tpu.memory_space<hbm>>
        %dma_wait3A_48 = arith.constant 0 : i32
        %dma_wait3A_49 = arith.constant 0 : i32
        %dma_wait3A_50 = tpu.memref_slice %arg6[%dma_wait3A_48, %dma_wait3A_49] : memref<1008x32xf32, #tpu.memory_space<vmem>> -> memref<1000x32xf32, #tpu.memory_space<vmem>>
        %dma_wait3A_51 = arith.constant 0 : i32
        %dma_wait3A_52 = tpu.memref_slice %arg2[%add3A_27, %dma_wait3A_51] : memref<160000x32xf32, #tpu.memory_space<hbm>> -> memref<1000x32xf32, #tpu.memory_space<hbm>>
        tpu.wait_dma2 semaphore(%run_scoped3A : memref<!tpu.dma_semaphore, #tpu.memory_space<semaphore_mem>>) src(%dma_wait3A_52 : memref<1000x32xf32, #tpu.memory_space<hbm>>) dst(%dma_wait3A_50 : memref<1000x32xf32, #tpu.memory_space<vmem>>)
        tpu.yield
      }) : () -> ()
      %get3A = arith.constant 992 : index
      %get3A_28 = tpu.vector_load %arg5[%get3A] {strides = array<i32>} : memref<1008xi32, #tpu.memory_space<vmem>>, vector<16xi32>,
      %get3A_29 = vector.shape_cast %get3A_28 : vector<16xi32> to vector<16xi32>
      %lt3A = arith.constant 8 : i32
      %lt3A_30 = vector.broadcast %lt3A : i32 to vector<16xi32>
      %lt3A_31 = arith.cmpi slt, %iota3A, %lt3A_30 : vector<16xi32>
      %jit3A = arith.constant 10016 : i32
      %broadcast_in_dim3A = vector.broadcast %jit3A : i32 to vector<16xi32>
      %select_n3A = arith.select %lt3A_31, %get3A_29, %broadcast_in_dim3A : vector<16xi1>, vector<16xi32>
      %swap3A = arith.constant 992 : index
      %swap3A_32 = tpu.vector_load %arg5[%swap3A] {strides = array<i32>} : memref<1008xi32, #tpu.memory_space<vmem>>, vector<16xi32>,
      %swap3A_33 = vector.shape_cast %swap3A_32 : vector<16xi32> to vector<16xi32>
      %swap3A_34 = vector.shape_cast %select_n3A : vector<16xi32> to vector<16xi32>
      tpu.vector_store %arg5[%swap3A], %swap3A_34 {strides = array<i32>} : memref<1008xi32, #tpu.memory_space<vmem>>, vector<16xi32>,
      "tpu.region"() ({
        %run_scoped3A = tpu.sem_alloc : memref<!tpu.dma_semaphore, #tpu.memory_space<semaphore_mem>>
        %dma_start3A = arith.constant 0 : i32
        %dma_start3A_35 = arith.constant 0 : i32
        %dma_start3A_36 = tpu.memref_slice %arg8[%dma_start3A, %dma_start3A_35] : memref<10240x32xf32, #tpu.memory_space<vmem_shared>> -> memref<10240x32xf32, #tpu.memory_space<vmem_shared>>
        tpu.enqueue_indirect_dma source(%arg6 : memref<1008x32xf32, #tpu.memory_space<vmem>>) target(%dma_start3A_36 : memref<10240x32xf32, #tpu.memory_space<vmem_shared>>) offsets(%arg5 : memref<1008xi32, #tpu.memory_space<vmem>>) semaphore(%run_scoped3A : memref<!tpu.dma_semaphore, #tpu.memory_space<semaphore_mem>>) {add = true}
        %dma_wait3A = arith.constant 0 : i32
        %dma_wait3A_37 = arith.constant 0 : i32
        %dma_wait3A_38 = tpu.memref_slice %arg8[%dma_wait3A, %dma_wait3A_37] : memref<10240x32xf32, #tpu.memory_space<vmem_shared>> -> memref<10240x32xf32, #tpu.memory_space<vmem_shared>>
        tpu.wait_indirect_dma semaphore(%run_scoped3A : memref<!tpu.dma_semaphore, #tpu.memory_space<semaphore_mem>>) src(%arg6 : memref<1008x32xf32, #tpu.memory_space<vmem>>) dst(%dma_wait3A_38 : memref<10240x32xf32, #tpu.memory_space<vmem_shared>>)
        tpu.yield
      }) : () -> ()
    }
    %scan3A_15 = arith.constant 5 : i32
    %barrier3A_16 = arith.constant 0 : index
    tpu.barrier barrier_id(%barrier3A_16)
    %mul3A_17 = arith.constant 625 : i32
    %mul3A_18 = arith.muli %arg1, %mul3A_17 : i32
    "tpu.region"() ({
      %run_scoped3A = tpu.sem_alloc : memref<!tpu.dma_semaphore, #tpu.memory_space<semaphore_mem>>
      %dma_start3A = arith.constant 0 : i32
      %dma_start3A_24 = arith.constant 0 : i32
      %dma_start3A_25 = tpu.memref_slice %arg7[%dma_start3A, %dma_start3A_24] : memref<640x32xf32, #tpu.memory_space<vmem>> -> memref<625x32xf32, #tpu.memory_space<vmem>>
      %dma_start3A_26 = arith.constant 0 : i32
      %dma_start3A_27 = tpu.memref_slice %arg8[%mul3A_18, %dma_start3A_26] : memref<10240x32xf32, #tpu.memory_space<vmem_shared>> -> memref<625x32xf32, #tpu.memory_space<vmem_shared>>
      %dma_start3A_28 = arith.constant 0 : i32
      %dma_start3A_29 = arith.constant 0 : i32
      %dma_start3A_30 = tpu.memref_slice %arg7[%dma_start3A_28, %dma_start3A_29] : memref<640x32xf32, #tpu.memory_space<vmem>> -> memref<625x32xf32, #tpu.memory_space<vmem>>
      %dma_start3A_31 = arith.constant 0 : i32
      %dma_start3A_32 = tpu.memref_slice %arg8[%mul3A_18, %dma_start3A_31] : memref<10240x32xf32, #tpu.memory_space<vmem_shared>> -> memref<625x32xf32, #tpu.memory_space<vmem_shared>>
      tpu.enqueue_dma source(%dma_start3A_32 : memref<625x32xf32, #tpu.memory_space<vmem_shared>>) target(%dma_start3A_30 : memref<625x32xf32, #tpu.memory_space<vmem>>) target_semaphore(%run_scoped3A : memref<!tpu.dma_semaphore, #tpu.memory_space<semaphore_mem>>)
      %dma_wait3A = arith.constant 0 : i32
      %dma_wait3A_33 = arith.constant 0 : i32
      %dma_wait3A_34 = tpu.memref_slice %arg7[%dma_wait3A, %dma_wait3A_33] : memref<640x32xf32, #tpu.memory_space<vmem>> -> memref<625x32xf32, #tpu.memory_space<vmem>>
      %dma_wait3A_35 = arith.constant 0 : i32
      %dma_wait3A_36 = tpu.memref_slice %arg8[%mul3A_18, %dma_wait3A_35] : memref<10240x32xf32, #tpu.memory_space<vmem_shared>> -> memref<625x32xf32, #tpu.memory_space<vmem_shared>>
      %dma_wait3A_37 = arith.constant 0 : i32
      %dma_wait3A_38 = arith.constant 0 : i32
      %dma_wait3A_39 = tpu.memref_slice %arg7[%dma_wait3A_37, %dma_wait3A_38] : memref<640x32xf32, #tpu.memory_space<vmem>> -> memref<625x32xf32, #tpu.memory_space<vmem>>
      %dma_wait3A_40 = arith.constant 0 : i32
      %dma_wait3A_41 = tpu.memref_slice %arg8[%mul3A_18, %dma_wait3A_40] : memref<10240x32xf32, #tpu.memory_space<vmem_shared>> -> memref<625x32xf32, #tpu.memory_space<vmem_shared>>
      tpu.wait_dma2 semaphore(%run_scoped3A : memref<!tpu.dma_semaphore, #tpu.memory_space<semaphore_mem>>) src(%dma_wait3A_41 : memref<625x32xf32, #tpu.memory_space<vmem_shared>>) dst(%dma_wait3A_39 : memref<625x32xf32, #tpu.memory_space<vmem>>)
      tpu.yield
    }) : () -> ()
    %mul3A_19 = arith.constant 10000 : i32
    %mul3A_20 = arith.muli %arg0, %mul3A_19 : i32
    %mul3A_21 = arith.constant 625 : i32
    %mul3A_22 = arith.muli %arg1, %mul3A_21 : i32
    %add3A_23 = arith.addi %mul3A_20, %mul3A_22 : i32
    "tpu.region"() ({
      %run_scoped3A = tpu.sem_alloc : memref<!tpu.dma_semaphore, #tpu.memory_space<semaphore_mem>>
      %dma_start3A = arith.constant 0 : i32
      %dma_start3A_24 = arith.constant 0 : i32
      %dma_start3A_25 = tpu.memref_slice %arg7[%dma_start3A, %dma_start3A_24] : memref<640x32xf32, #tpu.memory_space<vmem>> -> memref<625x32xf32, #tpu.memory_space<vmem>>
      %dma_start3A_26 = arith.constant 0 : i32
      %dma_start3A_27 = tpu.memref_slice %arg4[%add3A_23, %dma_start3A_26] : memref<20000x32xf32, #tpu.memory_space<hbm>> -> memref<625x32xf32, #tpu.memory_space<hbm>>
      %dma_start3A_28 = arith.constant 0 : i32
      %dma_start3A_29 = tpu.memref_slice %arg4[%add3A_23, %dma_start3A_28] : memref<20000x32xf32, #tpu.memory_space<hbm>> -> memref<625x32xf32, #tpu.memory_space<hbm>>
      %dma_start3A_30 = arith.constant 0 : i32
      %dma_start3A_31 = arith.constant 0 : i32
      %dma_start3A_32 = tpu.memref_slice %arg7[%dma_start3A_30, %dma_start3A_31] : memref<640x32xf32, #tpu.memory_space<vmem>> -> memref<625x32xf32, #tpu.memory_space<vmem>>
      tpu.enqueue_dma source(%dma_start3A_32 : memref<625x32xf32, #tpu.memory_space<vmem>>) target(%dma_start3A_29 : memref<625x32xf32, #tpu.memory_space<hbm>>) target_semaphore(%run_scoped3A : memref<!tpu.dma_semaphore, #tpu.memory_space<semaphore_mem>>)
      %dma_wait3A = arith.constant 0 : i32
      %dma_wait3A_33 = arith.constant 0 : i32
      %dma_wait3A_34 = tpu.memref_slice %arg7[%dma_wait3A, %dma_wait3A_33] : memref<640x32xf32, #tpu.memory_space<vmem>> -> memref<625x32xf32, #tpu.memory_space<vmem>>
      %dma_wait3A_35 = arith.constant 0 : i32
      %dma_wait3A_36 = tpu.memref_slice %arg4[%add3A_23, %dma_wait3A_35] : memref<20000x32xf32, #tpu.memory_space<hbm>> -> memref<625x32xf32, #tpu.memory_space<hbm>>
      %dma_wait3A_37 = arith.constant 0 : i32
      %dma_wait3A_38 = tpu.memref_slice %arg4[%add3A_23, %dma_wait3A_37] : memref<20000x32xf32, #tpu.memory_space<hbm>> -> memref<625x32xf32, #tpu.memory_space<hbm>>
      %dma_wait3A_39 = arith.constant 0 : i32
      %dma_wait3A_40 = arith.constant 0 : i32
      %dma_wait3A_41 = tpu.memref_slice %arg7[%dma_wait3A_39, %dma_wait3A_40] : memref<640x32xf32, #tpu.memory_space<vmem>> -> memref<625x32xf32, #tpu.memory_space<vmem>>
      tpu.wait_dma2 semaphore(%run_scoped3A : memref<!tpu.dma_semaphore, #tpu.memory_space<semaphore_mem>>) src(%dma_wait3A_41 : memref<625x32xf32, #tpu.memory_space<vmem>>) dst(%dma_wait3A_38 : memref<625x32xf32, #tpu.memory_space<hbm>>)
      tpu.yield
    }) : () -> ()
    return
  }
}

module attributes {stable_mosaic.version = 14 : i64} {
  func.func @_comb_body(%arg0: i32, %arg1: memref<5000x128xf32, #tpu.memory_space<vmem>>, %arg2: memref<2500x128xf32, #tpu.memory_space<vmem>>) attributes {dimension_semantics = [#tpu.dimension_semantics<arbitrary>], iteration_bounds = array<i64: 1>, scalar_prefetch = 0 : i64, scratch_operands = 0 : i64, tpu.core_type = #tpu.core_type<tc>, window_params = [{pipeline_mode = #tpu.pipeline_mode<synchronous>, transform_indices = @transform_0, window_bounds = array<i64: 5000, 128>}, {pipeline_mode = #tpu.pipeline_mode<synchronous>, transform_indices = @transform_1, window_bounds = array<i64: 2500, 128>}]} {
    %get3A = arith.constant 0 : index
    %get3A_0 = arith.constant 0 : index
    %get3A_1 = vector.load %arg1[%get3A, %get3A_0] : memref<5000x128xf32, #tpu.memory_space<vmem>>, vector<2500x128xf32>
    %get3A_2 = arith.constant 2500 : index
    %get3A_3 = arith.constant 0 : index
    %get3A_4 = vector.load %arg1[%get3A_2, %get3A_3] : memref<5000x128xf32, #tpu.memory_space<vmem>>, vector<2500x128xf32>
    %add3A = arith.addf %get3A_1, %get3A_4 : vector<2500x128xf32>
    %swap3A = arith.constant 0 : index
    %swap3A_5 = arith.constant 0 : index
    %swap3A_6 = vector.load %arg2[%swap3A, %swap3A_5] : memref<2500x128xf32, #tpu.memory_space<vmem>>, vector<2500x128xf32>
    tpu.vector_store %arg2[%swap3A, %swap3A_5], %add3A {strides = array<i32>} : memref<2500x128xf32, #tpu.memory_space<vmem>>, vector<2500x128xf32>,
    return
  }
  func.func @transform_0(%arg0: i32) -> (i32, i32) {
    %c0_i32 = arith.constant 0 : i32
    %c0_i32_0 = arith.constant 0 : i32
    %c0_i32_1 = arith.constant 0 : i32
    return %c0_i32, %c0_i32_0 : i32, i32
  }
  func.func @transform_1(%arg0: i32) -> (i32, i32) {
    %c0_i32 = arith.constant 0 : i32
    %c0_i32_0 = arith.constant 0 : i32
    %c0_i32_1 = arith.constant 0 : i32
    return %c0_i32, %c0_i32_0 : i32, i32
  }
}

module attributes {stable_mosaic.version = 14 : i64} {
  func.func @_mm_body(%arg0: i32, %arg1: memref<1000x64xf32, #tpu.memory_space<vmem>>, %arg2: memref<1000x128xf32, #tpu.memory_space<vmem>>, %arg3: memref<64x2048xbf16, #tpu.memory_space<vmem>>, %arg4: memref<2176x128xbf16, #tpu.memory_space<vmem>>, %arg5: memref<1000x128xf32, #tpu.memory_space<vmem>>) attributes {dimension_semantics = [#tpu.dimension_semantics<arbitrary>], iteration_bounds = array<i64: 40>, scalar_prefetch = 0 : i64, scratch_operands = 0 : i64, tpu.core_type = #tpu.core_type<tc>, window_params = [{transform_indices = @transform_0, window_bounds = array<i64: 1000, 64>}, {transform_indices = @transform_1, window_bounds = array<i64: 1000, 128>}, {pipeline_mode = #tpu.pipeline_mode<synchronous>, transform_indices = @transform_2, window_bounds = array<i64: 64, 2048>}, {pipeline_mode = #tpu.pipeline_mode<synchronous>, transform_indices = @transform_3, window_bounds = array<i64: 2176, 128>}, {transform_indices = @transform_4, window_bounds = array<i64: 1000, 128>}]} {
    %get3A = arith.constant 0 : index
    %get3A_0 = arith.constant 0 : index
    %get3A_1 = vector.load %arg1[%get3A, %get3A_0] : memref<1000x64xf32, #tpu.memory_space<vmem>>, vector<1000x64xf32>
    %convert_element_type3A = arith.truncf %get3A_1 : vector<1000x64xf32> to vector<1000x64xbf16>
    %get3A_2 = arith.constant 0 : index
    %get3A_3 = arith.constant 0 : index
    %get3A_4 = vector.load %arg2[%get3A_2, %get3A_3] : memref<1000x128xf32, #tpu.memory_space<vmem>>, vector<1000x128xf32>
    %convert_element_type3A_5 = arith.truncf %get3A_4 : vector<1000x128xf32> to vector<1000x128xbf16>
    %get3A_6 = arith.constant 0 : index
    %get3A_7 = arith.constant 0 : index
    %get3A_8 = vector.load %arg3[%get3A_6, %get3A_7] : memref<64x2048xbf16, #tpu.memory_space<vmem>>, vector<64x2048xbf16>
    %dot_general3A = arith.constant dense<0.000000e+00> : vector<1000x2048xf32>
    %dot_general3A_9 = tpu.matmul %convert_element_type3A, %get3A_8, %dot_general3A {dimension_numbers = #tpu.dot_dimension_numbers<[1], [0], [0], [1], [0, 0, 1, 1], [], []>, transpose_lhs_hint = false} : vector<1000x64xbf16>, vector<64x2048xbf16>, vector<1000x2048xf32> -> vector<1000x2048xf32>
    %convert_element_type3A_10 = arith.truncf %dot_general3A_9 : vector<1000x2048xf32> to vector<1000x2048xbf16>
    %slice3A = vector.extract_strided_slice %convert_element_type3A_5 {offsets = [0, 0], sizes = [1000, 32], strides = [1, 1]} : vector<1000x128xbf16> to vector<1000x32xbf16>
    %concatenate3A = tpu.concatenate %slice3A, %slice3A, %slice3A, %slice3A, %slice3A, %slice3A, %slice3A, %slice3A, %slice3A, %slice3A, %slice3A, %slice3A, %slice3A, %slice3A, %slice3A, %slice3A in 1 : vector<1000x32xbf16>, vector<1000x32xbf16>, vector<1000x32xbf16>, vector<1000x32xbf16>, vector<1000x32xbf16>, vector<1000x32xbf16>, vector<1000x32xbf16>, vector<1000x32xbf16>, vector<1000x32xbf16>, vector<1000x32xbf16>, vector<1000x32xbf16>, vector<1000x32xbf16>, vector<1000x32xbf16>, vector<1000x32xbf16>, vector<1000x32xbf16>, vector<1000x32xbf16> -> vector<1000x512xbf16>
    %slice3A_11 = vector.extract_strided_slice %convert_element_type3A_5 {offsets = [0, 32], sizes = [1000, 32], strides = [1, 1]} : vector<1000x128xbf16> to vector<1000x32xbf16>
    %concatenate3A_12 = tpu.concatenate %slice3A_11, %slice3A_11, %slice3A_11, %slice3A_11, %slice3A_11, %slice3A_11, %slice3A_11, %slice3A_11, %slice3A_11, %slice3A_11, %slice3A_11, %slice3A_11, %slice3A_11, %slice3A_11, %slice3A_11, %slice3A_11 in 1 : vector<1000x32xbf16>, vector<1000x32xbf16>, vector<1000x32xbf16>, vector<1000x32xbf16>, vector<1000x32xbf16>, vector<1000x32xbf16>, vector<1000x32xbf16>, vector<1000x32xbf16>, vector<1000x32xbf16>, vector<1000x32xbf16>, vector<1000x32xbf16>, vector<1000x32xbf16>, vector<1000x32xbf16>, vector<1000x32xbf16>, vector<1000x32xbf16>, vector<1000x32xbf16> -> vector<1000x512xbf16>
    %slice3A_13 = vector.extract_strided_slice %convert_element_type3A_5 {offsets = [0, 64], sizes = [1000, 32], strides = [1, 1]} : vector<1000x128xbf16> to vector<1000x32xbf16>
    %concatenate3A_14 = tpu.concatenate %slice3A_13, %slice3A_13, %slice3A_13, %slice3A_13, %slice3A_13, %slice3A_13, %slice3A_13, %slice3A_13, %slice3A_13, %slice3A_13, %slice3A_13, %slice3A_13, %slice3A_13, %slice3A_13, %slice3A_13, %slice3A_13 in 1 : vector<1000x32xbf16>, vector<1000x32xbf16>, vector<1000x32xbf16>, vector<1000x32xbf16>, vector<1000x32xbf16>, vector<1000x32xbf16>, vector<1000x32xbf16>, vector<1000x32xbf16>, vector<1000x32xbf16>, vector<1000x32xbf16>, vector<1000x32xbf16>, vector<1000x32xbf16>, vector<1000x32xbf16>, vector<1000x32xbf16>, vector<1000x32xbf16>, vector<1000x32xbf16> -> vector<1000x512xbf16>
    %slice3A_15 = vector.extract_strided_slice %convert_element_type3A_5 {offsets = [0, 96], sizes = [1000, 32], strides = [1, 1]} : vector<1000x128xbf16> to vector<1000x32xbf16>
    %concatenate3A_16 = tpu.concatenate %slice3A_15, %slice3A_15, %slice3A_15, %slice3A_15, %slice3A_15, %slice3A_15, %slice3A_15, %slice3A_15, %slice3A_15, %slice3A_15, %slice3A_15, %slice3A_15, %slice3A_15, %slice3A_15, %slice3A_15, %slice3A_15 in 1 : vector<1000x32xbf16>, vector<1000x32xbf16>, vector<1000x32xbf16>, vector<1000x32xbf16>, vector<1000x32xbf16>, vector<1000x32xbf16>, vector<1000x32xbf16>, vector<1000x32xbf16>, vector<1000x32xbf16>, vector<1000x32xbf16>, vector<1000x32xbf16>, vector<1000x32xbf16>, vector<1000x32xbf16>, vector<1000x32xbf16>, vector<1000x32xbf16>, vector<1000x32xbf16> -> vector<1000x512xbf16>
    %concatenate3A_17 = tpu.concatenate %concatenate3A, %concatenate3A_12, %concatenate3A_14, %concatenate3A_16 in 1 : vector<1000x512xbf16>, vector<1000x512xbf16>, vector<1000x512xbf16>, vector<1000x512xbf16> -> vector<1000x2048xbf16>
    %mul3A = arith.mulf %convert_element_type3A_10, %concatenate3A_17 : vector<1000x2048xbf16>
    %concatenate3A_18 = tpu.concatenate %mul3A, %convert_element_type3A_5 in 1 : vector<1000x2048xbf16>, vector<1000x128xbf16> -> vector<1000x2176xbf16>
    %get3A_19 = arith.constant 0 : index
    %get3A_20 = arith.constant 0 : index
    %get3A_21 = vector.load %arg4[%get3A_19, %get3A_20] : memref<2176x128xbf16, #tpu.memory_space<vmem>>, vector<2176x128xbf16>
    %dot_general3A_22 = arith.constant dense<0.000000e+00> : vector<1000x128xf32>
    %dot_general3A_23 = tpu.matmul %concatenate3A_18, %get3A_21, %dot_general3A_22 {dimension_numbers = #tpu.dot_dimension_numbers<[1], [0], [0], [1], [0, 0, 1, 1], [], []>, transpose_lhs_hint = false} : vector<1000x2176xbf16>, vector<2176x128xbf16>, vector<1000x128xf32> -> vector<1000x128xf32>
    %swap3A = arith.constant 0 : index
    %swap3A_24 = arith.constant 0 : index
    %swap3A_25 = vector.load %arg5[%swap3A, %swap3A_24] : memref<1000x128xf32, #tpu.memory_space<vmem>>, vector<1000x128xf32>
    tpu.vector_store %arg5[%swap3A, %swap3A_24], %dot_general3A_23 {strides = array<i32>} : memref<1000x128xf32, #tpu.memory_space<vmem>>, vector<1000x128xf32>,
    return
  }
  func.func @transform_0(%arg0: i32) -> (i32, i32) {
    %c0_i32 = arith.constant 0 : i32
    %c0_i32_0 = arith.constant 0 : i32
    return %arg0, %c0_i32 : i32, i32
  }
  func.func @transform_1(%arg0: i32) -> (i32, i32) {
    %c0_i32 = arith.constant 0 : i32
    %c0_i32_0 = arith.constant 0 : i32
    return %arg0, %c0_i32 : i32, i32
  }
  func.func @transform_2(%arg0: i32) -> (i32, i32) {
    %c0_i32 = arith.constant 0 : i32
    %c0_i32_0 = arith.constant 0 : i32
    %c0_i32_1 = arith.constant 0 : i32
    return %c0_i32, %c0_i32_0 : i32, i32
  }
  func.func @transform_3(%arg0: i32) -> (i32, i32) {
    %c0_i32 = arith.constant 0 : i32
    %c0_i32_0 = arith.constant 0 : i32
    %c0_i32_1 = arith.constant 0 : i32
    return %c0_i32, %c0_i32_0 : i32, i32
  }
  func.func @transform_4(%arg0: i32) -> (i32, i32) {
    %c0_i32 = arith.constant 0 : i32
    %c0_i32_0 = arith.constant 0 : i32
    return %arg0, %c0_i32 : i32, i32
  }
}

</mosaic_0001>

<sc_bundles>
// kernel: kernel.6.cloned.1.call-start
scs
__scs_entry_jumppad:
0x0: {  	(pc) =	sbr.rel $0x88, $3  }
0x1: {  	(tag) =	ssettag $0x0;
	lr =	simm.s32 $0x1  }
0x2: {  	[smem:$0x3F9B] =	sst lr;
	_ =	strace $0xD0000000  }
0x3: {  	_ = 	snop  }
0x4: {  	_ = 	snop  }
0x5: {  	_ = 	snop  }
0x6: {  	_ = 	snop  }
0x7: {  	_ = 	snop  }
__scs_overlays_trampoline_lowered:
0x8: {  	[smem:$0x3FAA] =	sst s0  }
0x9: {  	[smem:$0x3FAB] =	sst s1  }
0xa: {  	[smem:$0x3FAC] =	sst s2  }
0xb: {  	[smem:$0x3FAD] =	sst s3  }
0xc: {  	[smem:$0x3FAE] =	sst s4  }
0xd: {  	[smem:$0x3FAF] =	sst s5  }
0xe: {  	[smem:$0x3FB0] =	sst s6  }
0xf: {  	[smem:$0x3FB1] =	sst s7  }
0x10: {  	[smem:$0x3FB2] =	sst s8  }
0x11: {  	[smem:$0x3FB3] =	sst s9;
	s0 =	simm.s32 @!p0 $0x0  }
0x12: {  	s1 =	sld [smem:$0x3F99];
	s0 =	simm.s32 @p0 $0x1  }
0x13: {  	[smem:$0x3FB4] =	sst s0;
	s0 =	simm.s32 @!p1 $0x0  }
0x14: {  	s2 =	sld [smem:$0x3F98];
	s0 =	simm.s32 @p1 $0x1  }
0x15: {  	[smem:$0x3FB5] =	sst s0;
	s0 =	simm.s32 @!p2 $0x0  }
0x16: {  	s3 =	sld [smem:$0x3FDB];
	s0 =	simm.s32 @p2 $0x1  }
0x17: {  	s4 =	simm.s32 $0x1BF5;
	[smem:$0x3FB7] =	sst s0  }
0x18: {  	s0 =	sld [smem:$0x3F9A];
	_ =	swait.ge [sflag:s4], $0x0  }
0x19: {  	s7 =	sld [smem:$0x3F9B]  }
0x1a: {  	s8 =	sadd.s32 $0xFFFFE003, lr  }
0x1b: {  	s9 =	sadd.s32 $0xFFFFFEF7, lr;
	s5 =	simm.s32 $0xFFFFFFFF;
	p2 =	slt.u32 s8, $0xFFFFF086  }
0x1c: {  	p1 =	slt.u32 s9, $0xF7A;
	s5 =	simm.s32 @!p2 $0x0  }
0x1d: {  	s5 =	simm.s32 @p1 $0x1;
	p0 =	seq.s32 s7, s2  }
0x1e: {  	s7 =	smul.u32 @!p0 $0xF7A, s2;
	p2 =	seq.s32 @!p0 s5, $0x0  }
0x1f: {  	s9 =	smul.u32 $0xF7A, s1;
	s8 =	simm.s32 @!p0 $0x1BF5;
	p2 =	por !p2, p0  }
0x20: {  	[sflag:s8] =	ssyncset.s32 @!p0 $0xFFFFF086;
	s6 =	sadd.s32 @!p0 s3, s7;
	s7 =	simm.s32 @!p0 $0x108  }
0x21: {  	s3 =	sadd.s32 s3, s9;
	s6 =	sadd.s32 @!p0 $0x88, s6;
	s7 =	simm.s32 @p2 $0x1082  }
0x22: {  	[simem:s7], [sflag:s8] =	dma.local @!p0 [hbm:s6], $0xF7A  }
0x23: {  	s9 =	sor.u32 $0xD0000000, s2;
	s6 =	simm.s32 $0x108;
	_ =	swait.ge @!p0 [sflag:s8], $0x0  }
0x24: {  	s3 =	sadd.s32 $0x88, s3;
	s6 =	simm.s32 @!p1 $0x1082;
	[sflag:s4] =	ssyncset.s32 $0xFFFFF086  }
0x25: {  	[simem:s6], [sflag:s4] =	dma.local [hbm:s3], $0xF7A  }
0x26: {  	[smem:$0x3F9B] =	sst s1;
	(tag) =	ssettag s2;
	_ =	strace s9  }
0x27: {  	s1 =	sld [smem:$0x3FAB]  }
0x28: {  	s2 =	sld [smem:$0x3FAC]  }
0x29: {  	s4 =	sld [smem:$0x3FAE]  }
0x2a: {  	p0 =	seq.s32 s5, $0x0;
	s5 =	sld [smem:$0x3FAF]  }
0x2b: {  	s6 =	sld [smem:$0x3FB0]  }
0x2c: {  	s7 =	sld [smem:$0x3FB1]  }
0x2d: {  	s3 =	simm.s32 $0x108;
	s8 =	sld [smem:$0x3FB2]  }
0x2e: {  	s3 =	simm.s32 @!p0 $0x1082;
	s9 =	sld [smem:$0x3FB3]  }
0x2f: {  	lr =	sadd.s32 s0, s3;
	s0 =	sld [smem:$0x3FAA]  }
0x30: {  	s3 =	sld [smem:$0x3FAD]  }
0x31: {  	[smem:$0x3FB6] =	sst s10  }
0x32: {  	s10 =	sld [smem:$0x3FB4];
	_ =	sdelay $0x3  }
0x33: {  	p0 =	seq.s32 s10, $0x1;
	s10 =	sld [smem:$0x3FB6];
	_ =	sdelay $0x3  }
0x34: {  	[smem:$0x3FB6] =	sst s10  }
0x35: {  	s10 =	sld [smem:$0x3FB5];
	_ =	sdelay $0x3  }
0x36: {  	p1 =	seq.s32 s10, $0x1;
	s10 =	sld [smem:$0x3FB6];
	_ =	sdelay $0x3  }
0x37: {  	[smem:$0x3FB6] =	sst s10  }
0x38: {  	s10 =	sld [smem:$0x3FB7]  }
0x39: {  	_ = 	snop;
	(pc) =	sbr.ind lr, $3  }
0x3a: {  	_ = 	snop  }
0x3b: {  	_ = 	snop  }
0x3c: {  	p2 =	seq.s32 s10, $0x1;
	s10 =	sld [smem:$0x3FB6]  }
0x3d: {  	_ =	shalt  }
0x3e: {  	_ =	shalt  }
0x3f: {  	_ =	shalt  }
0x40: {  	_ =	shalt  }
0x41: {  	_ =	shalt  }
0x42: {  	_ =	shalt  }
0x43: {  	_ =	shalt  }
0x44: {  	_ =	shalt  }
0x45: {  	_ =	shalt  }
0x46: {  	_ =	shalt  }
0x47: {  	_ =	shalt  }
0x48: {  	_ =	shalt  }
0x49: {  	_ =	shalt  }
0x4a: {  	_ =	shalt  }
0x4b: {  	_ =	shalt  }
0x4c: {  	_ =	shalt  }
0x4d: {  	_ =	shalt  }
0x4e: {  	_ =	shalt  }
0x4f: {  	_ =	shalt  }
0x50: {  	_ =	shalt  }
0x51: {  	_ =	shalt  }
0x52: {  	_ =	shalt  }
0x53: {  	_ =	shalt  }
0x54: {  	_ =	shalt  }
0x55: {  	_ =	shalt  }
0x56: {  	_ =	shalt  }
0x57: {  	_ =	shalt  }
0x58: {  	_ =	shalt  }
0x59: {  	_ =	shalt  }
0x5a: {  	_ =	shalt  }
0x5b: {  	_ =	shalt  }
0x5c: {  	_ =	shalt  }
0x5d: {  	_ =	shalt  }
0x5e: {  	_ =	shalt  }
0x5f: {  	_ =	shalt  }
0x60: {  	_ =	shalt  }
0x61: {  	_ =	shalt  }
0x62: {  	_ =	shalt  }
0x63: {  	_ =	shalt  }
0x64: {  	_ =	shalt  }
0x65: {  	_ =	shalt  }
0x66: {  	_ =	shalt  }
0x67: {  	_ =	shalt  }
0x68: {  	_ =	shalt  }
0x69: {  	_ =	shalt  }
0x6a: {  	_ =	shalt  }
0x6b: {  	_ =	shalt  }
0x6c: {  	_ =	shalt  }
0x6d: {  	_ =	shalt  }
0x6e: {  	_ =	shalt  }
0x6f: {  	_ =	shalt  }
0x70: {  	_ =	shalt  }
0x71: {  	_ =	shalt  }
0x72: {  	_ =	shalt  }
0x73: {  	_ =	shalt  }
0x74: {  	_ =	shalt  }
0x75: {  	_ =	shalt  }
0x76: {  	_ =	shalt  }
0x77: {  	_ =	shalt  }
0x78: {  	_ =	shalt  }
0x79: {  	_ =	shalt  }
0x7a: {  	_ =	shalt  }
0x7b: {  	_ =	shalt  }
0x7c: {  	_ =	shalt  }
0x7d: {  	_ =	shalt  }
0x7e: {  	_ =	shalt  }
0x7f: {  	_ =	shalt  }
0x80: {  	_ =	shalt  }
0x81: {  	_ =	shalt  }
0x82: {  	_ =	shalt  }
0x83: {  	_ =	shalt  }
0x84: {  	_ =	shalt  }
0x85: {  	_ =	shalt  }
0x86: {  	_ =	shalt  }
0x87: {  	_ =	shalt  }
.Lfunc_end0:
.L_simem_size_0:
called_computation_lowered:
.L_overlay_start_0:
0x88: {  	s2 =	sld [smem:$0x3FD9]  }
0x89: {  	s3 =	sld [smem:$0x3FFE];
	_ =	sdelay $0x1  }
0x8a: {  	s1 =	srdreg.scid  }
0x8b: {  	s0 =	sand.u32 $0x1, s1  }
0x8c: {  	s17 =	sshll.u32 s0, $0xA;
	s2 =	sadd.s32 s3, s2  }
0x8d: {  	s2 =	sadd.s32 s2, s17  }
0x8e: {  	[smem:$0x3FC2] =	sst s2  }
0x8f: {  	_ = 	snop  }
0x90: {  	s2 =	sld [smem:$0x3FC8]  }
0x91: {  	s18 =	sld [smem:$0x3FD0];
	(tm) =	ssettm $0x1  }
0x92: {  	s4 =	sld [smem:$0x3FFB];
	_ =	sdelay $0x3  }
0x93: {  	_ =	strace s4  }
0x94: {  	s4 =	sld [smem:$0x3FFC];
	_ =	sdelay $0x3  }
0x95: {  	_ =	strace s4  }
0x96: {  	s4 =	sld [smem:$0x3FFD];
	_ =	sdelay $0x3  }
0x97: {  	_ =	strace s4  }
0x98: {  	_ =	strace $0x8FFFFFFF  }
0x99: {  	s19 =	sld [smem:$0x3FDB];
	_ =	sdelay $0x1  }
0x9a: {  	s5 =	simm.s32 $_scs_section_size  }
0x9b: {  	s6 =	simm.s32 $_size__tile_overlayer_lowered;
	s7 =	simm.s32 $_tile_overlayer_lowered  }
0x9c: {  	s22 =	simm.s32 $0x1BFF;
	s21 =	sshll.u32 s7, $0x1;
	s4 =	sadd.s32 s5, s19  }
0x9d: {  	s8 =	simm.s32 $0x0;
	s20 =	sshll.u32 s6, $0x1;
	s6 =	sadd.s32 s21, s4  }
0x9e: {  	[timem:s8], [sflag:s22] =	dma.local [hbm:s6], s20  }
0x9f: {  	_ =	swait.ge [sflag:s22], s20  }
0xa0: {  	s5 =	ssub.s32 $0x0, s20;
	[sflag:s22] =	ssyncset.done $0x0  }
0xa1: {  	[sflag:s22] =	ssyncadd.s32 s5;
	_ =	sdelay $0x1  }
0xa2: {  	s23 =	simm.s32 $0x1B8B  }
0xa3: {  	_ =	swait.ge [sflag:s23], $0x1  }
0xa4: {  	[sflag:s23] =	ssyncset.done $0x0  }
0xa5: {  	s25 =	simm.s32 $0x1B8E;
	s24 =	sld [smem:$0x3FFE];
	[sflag:s23] =	ssyncadd.s32 $0xFFFFFFFF  }
0xa6: {  	s26 =	simm.s32 $execute0_lowered;
	[smem:$0x3FD2] =	sst s25  }
0xa7: {  	s6 =	sshll.u32 s26, $0x1;
	_ =	strace $0x80000046;
	[dreg:$0x1] =	wrdreg $0xFFFFFFFF  }
0xa8: {  	s28 =	simm.s32 $_size_execute0_lowered;
	s4 =	sadd.s32 s4, s6;
	[dreg:$0x0] =	wrdreg $0x0  }
0xa9: {  	s6 =	sshll.u32 s28, $0x1;
	[dreg:$0x2] =	wrdreg s4  }
0xaa: {  	[dreg:$0x3] =	wrdreg s6  }
0xab: {  	[dreg:$0x4] =	wrdreg $0xC0  }
0xac: {  	_ =	task [dreg:s8], $0x5FFFF  }
0xad: {  	[dreg:$0x1] =	wrdreg $0xFFFFFFFF  }
0xae: {  	[dreg:$0x0] =	wrdreg $0x60  }
0xaf: {  	[dreg:$0x2] =	wrdreg s18  }
0xb0: {  	[dreg:$0x3] =	wrdreg s2  }
0xb1: {  	[dreg:$0x4] =	wrdreg s24  }
0xb2: {  	[dreg:$0x5] =	wrdreg $0x18A880  }
0xb3: {  	[dreg:$0x6] =	wrdreg $0x9  }
0xb4: {  	_ =	task.clear_ibuf [dreg:s8], $0x7FFFF;
	_ =	strace $0x90000046  }
0xb5: {  	s29 =	simm.s32 $0x9;
	_ =	strace $0x80000048  }
0xb6: {  	_ =	swait.ge [sflag:s29], $0x1  }
0xb7: {  	[sflag:s29] =	ssyncadd.s32 $0xFFFFFFFF  }
0xb8: {  	_ =	strace $0x90000048  }
0xb9: {  	_ =	sfence  }
0xba: {  	s30 =	sld [smem:$0x0];
	_ =	sdelay $0x2  }
0xbb: {  	s31 =	sshll.u32 s1, $0xD;
	s1 =	sshrl.u32 s1, $0x2  }
0xbc: {  	s3 =	sand.u32 $0x4000, s31;
	s1 =	sadd.s32 s1, s30  }
0xbd: {  	s0 =	sor.u32 s3, s0;
	s1 =	sshll.u32 s1, $0x11  }
0xbe: {  	s0 =	sor.u32 s1, s0  }
0xbf: {  	s0 =	sadd.s32 $0x8F2B, s0  }
0xc0: {  	[sflag:s0] =	ssyncadd.remote.s32 $0x1  }
0xc1: {  	_ =	sfence.sel $0xFFFF  }
0xc2: {  	[dreg:$0x0] =	wrdreg $0xFFFFFFFF;
	(pc) =	sbr.abs _section_cstart, $3  }
0xc3: {  	[dreg:$0x1] =	wrdreg $0xFFFFFFFF  }
0xc4: {  	_ =	task.clear_ibuf [dreg:s8], $0x2FFFF;
	_ =	strace $0x9FFFFFFF  }
0xc5: {  	(tm) =	ssettm $0x7FFFFFFF  }
tec
execute0_lowered:
.L_overlay_start_1:
0x0: {  	(tag) =	ssettag $0x1  }
0x1: {  	s4 =	rddreg [dreg:$0x0]  }
0x2: {  	s8 =	rddreg [dreg:$0x1]  }
0x3: {  	s15 =	rddreg [dreg:$0x2]  }
0x4: {  	s2 =	rddreg [dreg:$0x3]  }
0x5: {  	s0 =	rddreg [dreg:$0x4];
	s1 =	stileid.u32  }
0x6: {  	s3 =	simm.s32 $0x0;
	s5 =	srdreg.scid;
	s7 =	simm.s32 $0x7  }
0x7: {  	s6 =	smul.u32 $0x4E20, s1;
	[smem:$0x7FF] =	sst s3;
	s28 =	sand.u32 $0x1, s5  }
0x8: {  	s29 =	sshll.u32 s1, $0x1;
	s31 =	sshll.u32 s1, $0x6;
	_ =	strace $0x80000047  }
0x9: {  	s17 =	sor.u32 s28, s29;
	s30 =	sshrl.u32 s6, $0x3;
	s6 =	sadd.s32 s6, s2  }
0xa: {  	s5 =	sor.u32 $0x1C07, s31;
	s4 =	sadd.s32 s4, s30;
	s6 =	sshrl.u32 s6, $0x3  }
0xb: {  	[spmem:s6], [sflag:s5] =	dma.local [hbm:s4], $0x9C4  }
0xc: {  	s9 =	smul.u32 $0x271, s17;
	_ =	swait.ge [sflag:s7], $0x9C4  }
0xd: {  	[sflag:s7] =	ssyncset.done $0x0  }
0xe: {  	s8 =	sadd.s32 s8, s9;
	[sflag:s7] =	ssyncadd.s32 $0xFFFFF63C  }
0xf: {  	[tilespmem:s3], [sflag:$0x7] =	stream.linear.gather [hbm4b:s8+s3], $0x1388, $0x38;
	[tilespmem:$0x1D8A8] =	vst v63  }
0x10: {  	_ =	swait.ge [sflag:s7], $0x1388  }
0x11: {  	[sflag:s7] =	ssyncset.done $0x0  }
0x12: {  	[sflag:s7] =	ssyncadd.s32 $0xFFFFEC78  }
0x13: {  	s10 =	simm.s32 $0x1388;
	s9 =	simm.s32 $0x3E8;
	[bflag:$0x0] =	sbarrier.arrive $0xFFFF  }
0x14: {  	[tilespmem:s10], [sflag:$0x1] =	stream.indirect.gather [spmem:s2], $0x20, s3, s9, $0xb8;
	[tilespmem:$0x1D8A8] =	vst v63  }
0x15: {  	s11 =	simm.s32 $0x9088  }
0x16: {  	[tilespmem:s11], [sflag:$0x2] =	stream.indirect.gather [spmem:s2], $0x20, s9, s9, $0xb8;
	[tilespmem:$0x1D8A8] =	vst v63  }
0x17: {  	s12 =	simm.s32 $0x7D0;
	s13 =	simm.s32 $0x10D88;
	s14 =	simm.s32 $0x1  }
0x18: {  	[tilespmem:s13], [sflag:$0x3] =	stream.indirect.gather [spmem:s2], $0x20, s12, s9, $0xb8;
	[tilespmem:$0x1D8A8] =	vst v63  }
0x19: {  	s16 =	smul.u32 $0x4E20, s17;
	_ =	swait.ge [sflag:s14], $0x7D00  }
0x1a: {  	s19 =	sadd.s32 $0x1C00, s15;
	[sflag:s14] =	ssyncset.done $0x0  }
0x1b: {  	s15 =	sadd.s32 s19, s16;
	s16 =	simm.s32 $0x4;
	[sflag:s14] =	ssyncadd.s32 $0xFFFF8300  }
0x1c: {  	[hbm4b:s15+s3] =	stream.linear.scatter [tilespmem:s10], [sflag:$0x4], $0x7D00, $0x38;
	[tilespmem:$0x1D8A8] =	vst v63  }
0x1d: {  	_ =	swait.ge [sflag:s16], $0x7D00  }
0x1e: {  	s18 =	simm.s32 $0x2;
	[sflag:s16] =	ssyncset.done $0x0  }
0x1f: {  	s20 =	smul.u32 $0x27100, s17;
	s17 =	simm.s32 $0xBB8;
	[sflag:s16] =	ssyncadd.s32 $0xFFFF8300  }
0x20: {  	[tilespmem:s10], [sflag:$0x1] =	stream.indirect.gather [spmem:s2], $0x20, s17, s9, $0xb8;
	[tilespmem:$0x1D8A8] =	vst v63  }
0x21: {  	s20 =	sshrl.u32 s20, $0x3;
	_ =	swait.ge [sflag:s18], $0x7D00  }
0x22: {  	s25 =	sadd.s32 s19, s20;
	[sflag:s18] =	ssyncset.done $0x0  }
0x23: {  	s19 =	simm.s32 $0x5;
	s20 =	sadd.s32 $0xFA0, s25;
	[sflag:s18] =	ssyncadd.s32 $0xFFFF8300  }
0x24: {  	[hbm4b:s20+s3] =	stream.linear.scatter [tilespmem:s11], [sflag:$0x5], $0x7D00, $0x38;
	[tilespmem:$0x1D8A8] =	vst v63  }
0x25: {  	_ =	swait.ge [sflag:s19], $0x7D00  }
0x26: {  	[sflag:s19] =	ssyncset.done $0x0  }
0x27: {  	s21 =	simm.s32 $0xFA0;
	s22 =	simm.s32 $0x3;
	[sflag:s19] =	ssyncadd.s32 $0xFFFF8300  }
0x28: {  	[tilespmem:s11], [sflag:$0x2] =	stream.indirect.gather [spmem:s2], $0x20, s21, s9, $0xb8;
	[tilespmem:$0x1D8A8] =	vst v63  }
0x29: {  	_ =	swait.ge [sflag:s22], $0x7D00  }
0x2a: {  	[sflag:s22] =	ssyncset.done $0x0  }
0x2b: {  	s23 =	sadd.s32 $0x1F40, s25;
	[sflag:s22] =	ssyncadd.s32 $0xFFFF8300  }
0x2c: {  	[hbm4b:s23+s3] =	stream.linear.scatter [tilespmem:s13], [sflag:$0x6], $0x7D00, $0x38;
	[tilespmem:$0x1D8A8] =	vst v63  }
0x2d: {  	_ =	swait.ge [sflag:s14], $0x7D00  }
0x2e: {  	[sflag:s14] =	ssyncset.done $0x0  }
0x2f: {  	s24 =	sadd.s32 $0x2EE0, s25;
	[sflag:s14] =	ssyncadd.s32 $0xFFFF8300  }
0x30: {  	[hbm4b:s24+s3] =	stream.linear.scatter [tilespmem:s10], [sflag:$0x4], $0x7D00, $0x38;
	[tilespmem:$0x1D8A8] =	vst v63  }
0x31: {  	_ =	swait.ge [sflag:s18], $0x7D00  }
0x32: {  	s26 =	simm.s32 $0x6;
	s28 =	ssub.s32 $0x2, s28;
	[sflag:s18] =	ssyncset.done $0x0  }
0x33: {  	s29 =	sshrl.u32 s28, $0x1;
	s25 =	sadd.s32 $0x3E80, s25;
	[sflag:s18] =	ssyncadd.s32 $0xFFFF8300  }
0x34: {  	[hbm4b:s25+s3] =	stream.linear.scatter [tilespmem:s11], [sflag:$0x5], $0x7D00, $0x38;
	[tilespmem:$0x1D8A8] =	vst v63  }
0x35: {  	s28 =	ssub.s32 s28, s29;
	_ =	swait.ge [sflag:s26], $0x7D00  }
0x36: {  	s28 =	smax.u32 s28, $0x1;
	[sflag:s26] =	ssyncset.done $0x0  }
0x37: {  	p0 =	sne.s32 s28, $0x1;
	[sflag:s26] =	ssyncadd.s32 $0xFFFF8300  }
.Ltmp0:
0x38: {  	_ =	swait.ge [sflag:s16], $0x7D00;
	(pc) =	sbr.rel @!p0 .LBB2_2-.Ltmp0, $4  }
0x39: {  	[sflag:s16] =	ssyncset.done $0x0  }
0x3a: {  	[sflag:s16] =	ssyncadd.s32 $0xFFFF8300  }
0x3b: {  	_ =	swait.ge [sflag:s19], $0x7D00  }
0x3c: {  	s28 =	sadd.s32 $0xFFFFFFFF, s28;
	[sflag:s19] =	ssyncset.done $0x0  }
.LBB2_1:
0x3d: {  	p0 =	sne.s32 s28, $0x1;
	s28 =	sadd.s32 $0xFFFFFFFF, s28;
	[sflag:s19] =	ssyncadd.s32 $0xFFFF8300  }
0x3e: {  	[spmem:s6], [sflag:s5] =	dma.local [hbm:s4], $0x9C4  }
0x3f: {  	_ =	swait.ge [sflag:s7], $0x9C4  }
0x40: {  	[sflag:s7] =	ssyncset.done $0x0  }
0x41: {  	[sflag:s7] =	ssyncadd.s32 $0xFFFFF63C  }
0x42: {  	[tilespmem:s3], [sflag:$0x7] =	stream.linear.gather [hbm4b:s8+s3], $0x1388, $0x38;
	[tilespmem:$0x1D8A8] =	vst v63  }
0x43: {  	_ =	swait.ge [sflag:s7], $0x1388  }
0x44: {  	[sflag:s7] =	ssyncset.done $0x0  }
0x45: {  	[sflag:s7] =	ssyncadd.s32 $0xFFFFEC78  }
0x46: {  	[bflag:$0x0] =	sbarrier.arrive $0xFFFF  }
0x47: {  	[tilespmem:s10], [sflag:$0x1] =	stream.indirect.gather [spmem:s2], $0x20, s3, s9, $0xb8;
	[tilespmem:$0x1D8A8] =	vst v63  }
0x48: {  	_ = 	snop  }
0x49: {  	[tilespmem:s11], [sflag:$0x2] =	stream.indirect.gather [spmem:s2], $0x20, s9, s9, $0xb8;
	[tilespmem:$0x1D8A8] =	vst v63  }
0x4a: {  	_ = 	snop  }
0x4b: {  	[tilespmem:s13], [sflag:$0x3] =	stream.indirect.gather [spmem:s2], $0x20, s12, s9, $0xb8;
	[tilespmem:$0x1D8A8] =	vst v63  }
0x4c: {  	_ =	swait.ge [sflag:s14], $0x7D00  }
0x4d: {  	[sflag:s14] =	ssyncset.done $0x0  }
0x4e: {  	[sflag:s14] =	ssyncadd.s32 $0xFFFF8300  }
0x4f: {  	[hbm4b:s15+s3] =	stream.linear.scatter [tilespmem:s10], [sflag:$0x4], $0x7D00, $0x38;
	[tilespmem:$0x1D8A8] =	vst v63  }
0x50: {  	_ =	swait.ge [sflag:s16], $0x7D00  }
0x51: {  	[sflag:s16] =	ssyncset.done $0x0  }
0x52: {  	[sflag:s16] =	ssyncadd.s32 $0xFFFF8300  }
0x53: {  	[tilespmem:s10], [sflag:$0x1] =	stream.indirect.gather [spmem:s2], $0x20, s17, s9, $0xb8;
	[tilespmem:$0x1D8A8] =	vst v63  }
0x54: {  	_ =	swait.ge [sflag:s18], $0x7D00  }
0x55: {  	[sflag:s18] =	ssyncset.done $0x0  }
0x56: {  	[sflag:s18] =	ssyncadd.s32 $0xFFFF8300  }
0x57: {  	[hbm4b:s20+s3] =	stream.linear.scatter [tilespmem:s11], [sflag:$0x5], $0x7D00, $0x38;
	[tilespmem:$0x1D8A8] =	vst v63  }
0x58: {  	_ =	swait.ge [sflag:s19], $0x7D00  }
0x59: {  	[sflag:s19] =	ssyncset.done $0x0  }
0x5a: {  	[sflag:s19] =	ssyncadd.s32 $0xFFFF8300  }
0x5b: {  	[tilespmem:s11], [sflag:$0x2] =	stream.indirect.gather [spmem:s2], $0x20, s21, s9, $0xb8;
	[tilespmem:$0x1D8A8] =	vst v63  }
0x5c: {  	_ =	swait.ge [sflag:s22], $0x7D00  }
0x5d: {  	[sflag:s22] =	ssyncset.done $0x0  }
0x5e: {  	[sflag:s22] =	ssyncadd.s32 $0xFFFF8300  }
0x5f: {  	[hbm4b:s23+s3] =	stream.linear.scatter [tilespmem:s13], [sflag:$0x6], $0x7D00, $0x38;
	[tilespmem:$0x1D8A8] =	vst v63  }
0x60: {  	_ =	swait.ge [sflag:s14], $0x7D00  }
0x61: {  	[sflag:s14] =	ssyncset.done $0x0  }
0x62: {  	[sflag:s14] =	ssyncadd.s32 $0xFFFF8300  }
0x63: {  	[hbm4b:s24+s3] =	stream.linear.scatter [tilespmem:s10], [sflag:$0x4], $0x7D00, $0x38;
	[tilespmem:$0x1D8A8] =	vst v63  }
0x64: {  	_ =	swait.ge [sflag:s18], $0x7D00  }
0x65: {  	[sflag:s18] =	ssyncset.done $0x0  }
0x66: {  	[sflag:s18] =	ssyncadd.s32 $0xFFFF8300  }
0x67: {  	[hbm4b:s25+s3] =	stream.linear.scatter [tilespmem:s11], [sflag:$0x5], $0x7D00, $0x38;
	[tilespmem:$0x1D8A8] =	vst v63  }
0x68: {  	_ =	swait.ge [sflag:s26], $0x7D00  }
0x69: {  	[sflag:s26] =	ssyncset.done $0x0  }
0x6a: {  	[sflag:s26] =	ssyncadd.s32 $0xFFFF8300  }
.Ltmp1:
0x6b: {  	_ =	swait.ge [sflag:s16], $0x7D00;
	(pc) =	sbr.rel @p0 .LBB2_1-.Ltmp1, $4  }
0x6c: {  	[sflag:s16] =	ssyncset.done $0x0  }
0x6d: {  	[sflag:s16] =	ssyncadd.s32 $0xFFFF8300  }
0x6e: {  	_ =	swait.ge [sflag:s19], $0x7D00  }
0x6f: {  	[sflag:s19] =	ssyncset.done $0x0  }
.LBB2_2:
0x70: {  	[sflag:s19] =	ssyncadd.s32 $0xFFFF8300  }
0x71: {  	_ =	sfence.sel $0x180000  }
0x72: {  	[bflag:$0x0] =	sbarrier.arrive $0xFFFF  }
0x73: {  	p0 =	sne.s32 s1, $0x0;
	_ =	strace $0x90000047  }
0x74: {  	s0 =	sadd.s32 @!p0 $0x100000, s0;
	[bflag:$0x2] =	sbarrier.arrive $0xFFFF  }
0x75: {  	[sflag:s0] =	ssyncadd.tile.s32 @!p0 $0x1;
	_ =	shalt  }
.Lfunc_end2:
_tile_overlayer_lowered:
.L_overlay_start_2:
0x76: {  	(tag) =	ssettag $0x2  }
0x77: {  	s0 =	rddreg [dreg:$0x0];
	s2 =	stileid.u32  }
0x78: {  	s1 =	rddreg [dreg:$0x1];
	p0 =	sne.s32 s2, $0x0  }
0x79: {  	s3 =	rddreg [dreg:$0x2];
	[bflag:$0x3] =	sbarrier.arrive $0xFFFF;
	s2 =	simm.s32 @!p0 $0x1C07  }
0x7a: {  	[timem:s3], [sflag:s2] =	dma.local @!p0 [hbm:s0], s1  }
0x7b: {  	s0 =	simm.s32 @!p0 $0x7  }
0x7c: {  	_ =	swait.ge @!p0 [sflag:s0], s1  }
0x7d: {  	s1 =	ssub.s32 @!p0 $0x0, s1;
	[sflag:s0] =	ssyncset.done @!p0 $0x0  }
0x7e: {  	[sflag:s0] =	ssyncadd.s32 @!p0 s1  }
0x7f: {  	[bflag:$0x3] =	sbarrier.arrive $0xFFFF  }
0x80: {  	_ =	shalt  }

// kernel: kernel.9.cloned.1.call-start
scs
__scs_entry_jumppad:
0x0: {  	(pc) =	sbr.rel $0x88, $3  }
0x1: {  	(tag) =	ssettag $0x0;
	lr =	simm.s32 $0x1  }
0x2: {  	[smem:$0x3F9B] =	sst lr;
	_ =	strace $0xD0000000  }
0x3: {  	_ = 	snop  }
0x4: {  	_ = 	snop  }
0x5: {  	_ = 	snop  }
0x6: {  	_ = 	snop  }
0x7: {  	_ = 	snop  }
__scs_overlays_trampoline_lowered:
0x8: {  	[smem:$0x3FAA] =	sst s0  }
0x9: {  	[smem:$0x3FAB] =	sst s1  }
0xa: {  	[smem:$0x3FAC] =	sst s2  }
0xb: {  	[smem:$0x3FAD] =	sst s3  }
0xc: {  	[smem:$0x3FAE] =	sst s4  }
0xd: {  	[smem:$0x3FAF] =	sst s5  }
0xe: {  	[smem:$0x3FB0] =	sst s6  }
0xf: {  	[smem:$0x3FB1] =	sst s7  }
0x10: {  	[smem:$0x3FB2] =	sst s8  }
0x11: {  	[smem:$0x3FB3] =	sst s9;
	s0 =	simm.s32 @!p0 $0x0  }
0x12: {  	s1 =	sld [smem:$0x3F99];
	s0 =	simm.s32 @p0 $0x1  }
0x13: {  	[smem:$0x3FB4] =	sst s0;
	s0 =	simm.s32 @!p1 $0x0  }
0x14: {  	s2 =	sld [smem:$0x3F98];
	s0 =	simm.s32 @p1 $0x1  }
0x15: {  	[smem:$0x3FB5] =	sst s0;
	s0 =	simm.s32 @!p2 $0x0  }
0x16: {  	s3 =	sld [smem:$0x3FDB];
	s0 =	simm.s32 @p2 $0x1  }
0x17: {  	s4 =	simm.s32 $0x1BF5;
	[smem:$0x3FB7] =	sst s0  }
0x18: {  	s0 =	sld [smem:$0x3F9A];
	_ =	swait.ge [sflag:s4], $0x0  }
0x19: {  	s7 =	sld [smem:$0x3F9B]  }
0x1a: {  	s8 =	sadd.s32 $0xFFFFE003, lr  }
0x1b: {  	s9 =	sadd.s32 $0xFFFFFEF7, lr;
	s5 =	simm.s32 $0xFFFFFFFF;
	p2 =	slt.u32 s8, $0xFFFFF086  }
0x1c: {  	p1 =	slt.u32 s9, $0xF7A;
	s5 =	simm.s32 @!p2 $0x0  }
0x1d: {  	s5 =	simm.s32 @p1 $0x1;
	p0 =	seq.s32 s7, s2  }
0x1e: {  	s7 =	smul.u32 @!p0 $0xF7A, s2;
	p2 =	seq.s32 @!p0 s5, $0x0  }
0x1f: {  	s9 =	smul.u32 $0xF7A, s1;
	s8 =	simm.s32 @!p0 $0x1BF5;
	p2 =	por !p2, p0  }
0x20: {  	[sflag:s8] =	ssyncset.s32 @!p0 $0xFFFFF086;
	s6 =	sadd.s32 @!p0 s3, s7;
	s7 =	simm.s32 @!p0 $0x108  }
0x21: {  	s3 =	sadd.s32 s3, s9;
	s6 =	sadd.s32 @!p0 $0x88, s6;
	s7 =	simm.s32 @p2 $0x1082  }
0x22: {  	[simem:s7], [sflag:s8] =	dma.local @!p0 [hbm:s6], $0xF7A  }
0x23: {  	s9 =	sor.u32 $0xD0000000, s2;
	s6 =	simm.s32 $0x108;
	_ =	swait.ge @!p0 [sflag:s8], $0x0  }
0x24: {  	s3 =	sadd.s32 $0x88, s3;
	s6 =	simm.s32 @!p1 $0x1082;
	[sflag:s4] =	ssyncset.s32 $0xFFFFF086  }
0x25: {  	[simem:s6], [sflag:s4] =	dma.local [hbm:s3], $0xF7A  }
0x26: {  	[smem:$0x3F9B] =	sst s1;
	(tag) =	ssettag s2;
	_ =	strace s9  }
0x27: {  	s1 =	sld [smem:$0x3FAB]  }
0x28: {  	s2 =	sld [smem:$0x3FAC]  }
0x29: {  	s4 =	sld [smem:$0x3FAE]  }
0x2a: {  	p0 =	seq.s32 s5, $0x0;
	s5 =	sld [smem:$0x3FAF]  }
0x2b: {  	s6 =	sld [smem:$0x3FB0]  }
0x2c: {  	s7 =	sld [smem:$0x3FB1]  }
0x2d: {  	s3 =	simm.s32 $0x108;
	s8 =	sld [smem:$0x3FB2]  }
0x2e: {  	s3 =	simm.s32 @!p0 $0x1082;
	s9 =	sld [smem:$0x3FB3]  }
0x2f: {  	lr =	sadd.s32 s0, s3;
	s0 =	sld [smem:$0x3FAA]  }
0x30: {  	s3 =	sld [smem:$0x3FAD]  }
0x31: {  	[smem:$0x3FB6] =	sst s10  }
0x32: {  	s10 =	sld [smem:$0x3FB4];
	_ =	sdelay $0x3  }
0x33: {  	p0 =	seq.s32 s10, $0x1;
	s10 =	sld [smem:$0x3FB6];
	_ =	sdelay $0x3  }
0x34: {  	[smem:$0x3FB6] =	sst s10  }
0x35: {  	s10 =	sld [smem:$0x3FB5];
	_ =	sdelay $0x3  }
0x36: {  	p1 =	seq.s32 s10, $0x1;
	s10 =	sld [smem:$0x3FB6];
	_ =	sdelay $0x3  }
0x37: {  	[smem:$0x3FB6] =	sst s10  }
0x38: {  	s10 =	sld [smem:$0x3FB7]  }
0x39: {  	_ = 	snop;
	(pc) =	sbr.ind lr, $3  }
0x3a: {  	_ = 	snop  }
0x3b: {  	_ = 	snop  }
0x3c: {  	p2 =	seq.s32 s10, $0x1;
	s10 =	sld [smem:$0x3FB6]  }
0x3d: {  	_ =	shalt  }
0x3e: {  	_ =	shalt  }
0x3f: {  	_ =	shalt  }
0x40: {  	_ =	shalt  }
0x41: {  	_ =	shalt  }
0x42: {  	_ =	shalt  }
0x43: {  	_ =	shalt  }
0x44: {  	_ =	shalt  }
0x45: {  	_ =	shalt  }
0x46: {  	_ =	shalt  }
0x47: {  	_ =	shalt  }
0x48: {  	_ =	shalt  }
0x49: {  	_ =	shalt  }
0x4a: {  	_ =	shalt  }
0x4b: {  	_ =	shalt  }
0x4c: {  	_ =	shalt  }
0x4d: {  	_ =	shalt  }
0x4e: {  	_ =	shalt  }
0x4f: {  	_ =	shalt  }
0x50: {  	_ =	shalt  }
0x51: {  	_ =	shalt  }
0x52: {  	_ =	shalt  }
0x53: {  	_ =	shalt  }
0x54: {  	_ =	shalt  }
0x55: {  	_ =	shalt  }
0x56: {  	_ =	shalt  }
0x57: {  	_ =	shalt  }
0x58: {  	_ =	shalt  }
0x59: {  	_ =	shalt  }
0x5a: {  	_ =	shalt  }
0x5b: {  	_ =	shalt  }
0x5c: {  	_ =	shalt  }
0x5d: {  	_ =	shalt  }
0x5e: {  	_ =	shalt  }
0x5f: {  	_ =	shalt  }
0x60: {  	_ =	shalt  }
0x61: {  	_ =	shalt  }
0x62: {  	_ =	shalt  }
0x63: {  	_ =	shalt  }
0x64: {  	_ =	shalt  }
0x65: {  	_ =	shalt  }
0x66: {  	_ =	shalt  }
0x67: {  	_ =	shalt  }
0x68: {  	_ =	shalt  }
0x69: {  	_ =	shalt  }
0x6a: {  	_ =	shalt  }
0x6b: {  	_ =	shalt  }
0x6c: {  	_ =	shalt  }
0x6d: {  	_ =	shalt  }
0x6e: {  	_ =	shalt  }
0x6f: {  	_ =	shalt  }
0x70: {  	_ =	shalt  }
0x71: {  	_ =	shalt  }
0x72: {  	_ =	shalt  }
0x73: {  	_ =	shalt  }
0x74: {  	_ =	shalt  }
0x75: {  	_ =	shalt  }
0x76: {  	_ =	shalt  }
0x77: {  	_ =	shalt  }
0x78: {  	_ =	shalt  }
0x79: {  	_ =	shalt  }
0x7a: {  	_ =	shalt  }
0x7b: {  	_ =	shalt  }
0x7c: {  	_ =	shalt  }
0x7d: {  	_ =	shalt  }
0x7e: {  	_ =	shalt  }
0x7f: {  	_ =	shalt  }
0x80: {  	_ =	shalt  }
0x81: {  	_ =	shalt  }
0x82: {  	_ =	shalt  }
0x83: {  	_ =	shalt  }
0x84: {  	_ =	shalt  }
0x85: {  	_ =	shalt  }
0x86: {  	_ =	shalt  }
0x87: {  	_ =	shalt  }
.Lfunc_end0:
.L_simem_size_0:
called_computation.1_lowered:
.L_overlay_start_0:
0x88: {  	s2 =	sld [smem:$0x3FD9]  }
0x89: {  	s3 =	sld [smem:$0x3FFE];
	_ =	sdelay $0x1  }
0x8a: {  	s1 =	srdreg.scid  }
0x8b: {  	s0 =	sand.u32 $0x1, s1  }
0x8c: {  	s17 =	sshll.u32 s0, $0xA;
	s2 =	sadd.s32 s3, s2  }
0x8d: {  	s2 =	sadd.s32 s2, s17  }
0x8e: {  	[smem:$0x3FC2] =	sst s2  }
0x8f: {  	_ = 	snop  }
0x90: {  	s2 =	sld [smem:$0x3FC7];
	(tm) =	ssettm $0x1  }
0x91: {  	s18 =	sld [smem:$0x3FFB];
	_ =	sdelay $0x3  }
0x92: {  	_ =	strace s18  }
0x93: {  	s3 =	sld [smem:$0x3FFC];
	_ =	sdelay $0x3  }
0x94: {  	_ =	strace s3  }
0x95: {  	s3 =	sld [smem:$0x3FFD];
	_ =	sdelay $0x3  }
0x96: {  	_ =	strace s3  }
0x97: {  	_ =	strace $0x8FFFFFFF  }
0x98: {  	s19 =	sld [smem:$0x3FDB];
	_ =	sdelay $0x1  }
0x99: {  	s4 =	simm.s32 $_scs_section_size  }
0x9a: {  	s5 =	simm.s32 $_size__tile_overlayer_lowered;
	s6 =	simm.s32 $_tile_overlayer_lowered  }
0x9b: {  	s22 =	simm.s32 $0x1BFF;
	s21 =	sshll.u32 s6, $0x1;
	s3 =	sadd.s32 s4, s19  }
0x9c: {  	s7 =	simm.s32 $0x0;
	s20 =	sshll.u32 s5, $0x1;
	s5 =	sadd.s32 s21, s3  }
0x9d: {  	[timem:s7], [sflag:s22] =	dma.local [hbm:s5], s20  }
0x9e: {  	_ =	swait.ge [sflag:s22], s20  }
0x9f: {  	s4 =	ssub.s32 $0x0, s20;
	[sflag:s22] =	ssyncset.done $0x0  }
0xa0: {  	[sflag:s22] =	ssyncadd.s32 s4;
	_ =	sdelay $0x1  }
0xa1: {  	s23 =	simm.s32 $0x1B8B  }
0xa2: {  	_ =	swait.ge [sflag:s23], $0x1  }
0xa3: {  	[sflag:s23] =	ssyncset.done $0x0  }
0xa4: {  	s25 =	simm.s32 $0x1B8E;
	s24 =	sld [smem:$0x3FFE];
	[sflag:s23] =	ssyncadd.s32 $0xFFFFFFFF  }
0xa5: {  	s26 =	simm.s32 $execute0_lowered;
	[smem:$0x3FD2] =	sst s25  }
0xa6: {  	s5 =	sshll.u32 s26, $0x1;
	_ =	strace $0x80000049;
	[dreg:$0x1] =	wrdreg $0xFFFFFFFF  }
0xa7: {  	s28 =	simm.s32 $_size_execute0_lowered;
	s3 =	sadd.s32 s3, s5;
	[dreg:$0x0] =	wrdreg $0x0  }
0xa8: {  	s5 =	sshll.u32 s28, $0x1;
	[dreg:$0x2] =	wrdreg s3  }
0xa9: {  	[dreg:$0x3] =	wrdreg s5  }
0xaa: {  	[dreg:$0x4] =	wrdreg $0xC0  }
0xab: {  	_ =	task [dreg:s7], $0x5FFFF  }
0xac: {  	[dreg:$0x1] =	wrdreg $0xFFFFFFFF  }
0xad: {  	[dreg:$0x0] =	wrdreg $0x60  }
0xae: {  	[dreg:$0x2] =	wrdreg s24  }
0xaf: {  	[dreg:$0x3] =	wrdreg s2  }
0xb0: {  	[dreg:$0x4] =	wrdreg $0xD1F00  }
0xb1: {  	[dreg:$0x5] =	wrdreg $0x9  }
0xb2: {  	_ =	task.clear_ibuf [dreg:s7], $0x6FFFF;
	_ =	strace $0x90000049  }
0xb3: {  	s29 =	simm.s32 $0x9;
	_ =	strace $0x8000004B  }
0xb4: {  	_ =	swait.ge [sflag:s29], $0x1  }
0xb5: {  	[sflag:s29] =	ssyncadd.s32 $0xFFFFFFFF  }
0xb6: {  	_ =	strace $0x9000004B  }
0xb7: {  	_ =	sfence  }
0xb8: {  	s30 =	sld [smem:$0x0];
	_ =	sdelay $0x2  }
0xb9: {  	s31 =	sshll.u32 s1, $0xD;
	s1 =	sshrl.u32 s1, $0x2  }
0xba: {  	s3 =	sand.u32 $0x4000, s31;
	s1 =	sadd.s32 s1, s30  }
0xbb: {  	s0 =	sor.u32 s3, s0;
	s1 =	sshll.u32 s1, $0x11  }
0xbc: {  	s0 =	sor.u32 s1, s0  }
0xbd: {  	s0 =	sadd.s32 $0x8F2B, s0  }
0xbe: {  	[sflag:s0] =	ssyncadd.remote.s32 $0x1  }
0xbf: {  	_ =	sfence.sel $0xFFFF  }
0xc0: {  	[dreg:$0x0] =	wrdreg $0xFFFFFFFF;
	(pc) =	sbr.abs _section_cstart, $3  }
0xc1: {  	[dreg:$0x1] =	wrdreg $0xFFFFFFFF  }
0xc2: {  	_ =	task.clear_ibuf [dreg:s7], $0x2FFFF;
	_ =	strace $0x9FFFFFFF  }
0xc3: {  	(tm) =	ssettm $0x7FFFFFFF  }
tec
execute0_lowered:
.L_overlay_start_1:
0x0: {  	(tag) =	ssettag $0x1  }
0x1: {  	s2 =	stileid.u32  }
0x2: {  	s4 =	rddreg [dreg:$0x0];
	s8 =	smul.u32 $0x9C4, s2  }
0x3: {  	s9 =	rddreg [dreg:$0x1];
	s24 =	smul.u32 $0x14000, s2  }
0x4: {  	s0 =	srdreg.scid;
	s28 =	smul.u32 $0x13880, s2  }
0x5: {  	s1 =	rddreg [dreg:$0x2];
	s3 =	simm.s32 $0x0;
	s12 =	smul.u32 $0x1388, s2  }
0x6: {  	s5 =	sand.u32 $0x1, s0;
	s0 =	rddreg [dreg:$0x3];
	s13 =	smul.u32 $0x4E20, s2  }
0x7: {  	[smem:$0x7FF] =	sst s3;
	s6 =	smul.u32 $0x4E200, s5  }
0x8: {  	s7 =	smul.u32 $0x9C40, s5;
	_ =	strace $0x8000004A;
	s25 =	ssub.s32 $0x2, s5  }
0x9: {  	s11 =	smul.u32 $0x13880, s5;
	s26 =	sshrl.u32 s25, $0x1;
	s29 =	sshrl.u32 s24, $0x2  }
0xa: {  	s5 =	sshrl.u32 s28, $0x2;
	s10 =	sadd.s32 s6, s4;
	s7 =	sadd.s32 s8, s7  }
0xb: {  	s8 =	ssub.s32 s25, s26;
	s5 =	sadd.s32 s5, s1;
	s11 =	sadd.s32 s12, s11  }
0xc: {  	s12 =	simm.s32 $0x3F0;
	s7 =	sadd.s32 s7, s4;
	s4 =	sadd.s32 s29, s1  }
0xd: {  	s30 =	sadd.s32 s13, s10;
	s31 =	sshrl.u32 s11, $0x3;
	s10 =	simm.s32 $0x81F0  }
0xe: {  	s11 =	simm.s32 $0x1;
	s13 =	simm.s32 $0x0;
	s6 =	sadd.s32 $0x9E000, s7  }
0xf: {  	v0 =	vimm.f32 $0.0e+00;
	vm0 =	vmmov $0xff;
	s7 =	smax.u32 s8, $0x1;
	s8 =	sadd.s32 $0x1C00, s30;
	s9 =	sadd.s32 s31, s9  }
.LBB2_1:
0x10: {  	s14 =	simm.s32 $0x80;
	s15 =	simm.s32 $0x0  }
.LBB2_2:
0x11: {  	p0 =	sne.s32 s14, $0x13F80;
	[tilespmem:s15+$0x81F0] =	vst v0;
	s16 =	smov.u32 s14;
	s14 =	sadd.s32 $0x80, s14  }
.Ltmp0:
0x12: {  	[tilespmem:s15+$0x8200] =	vst v0;
	(pc) =	sbr.rel @p0 .LBB2_2-.Ltmp0, $2  }
0x13: {  	_ =	sdelay $0x2  }
0x14: {  	s15 =	sshra.s32 s16, $0x2  }
0x15: {  	[tilespmem:s15+$0x81F0] =	vst v0  }
0x16: {  	[tilespmem:s15+$0x8200] =	vst v0  }
0x17: {  	[spmem:s4] =	stream.linear.scatter [tilespmem:s10], [sflag:$0x1], $0x5000, $0x38;
	[tilespmem:$0x121F0] =	vst v63  }
0x18: {  	_ =	swait.ge [sflag:s11], $0x5000  }
0x19: {  	[sflag:s11] =	ssyncset.done $0x0  }
0x1a: {  	[sflag:s11] =	ssyncadd.s32 $0xFFFFB000  }
0x1b: {  	s14 =	sadd.s32 $0x0, s9;
	[bflag:$0x0] =	sbarrier.arrive $0xFFFF  }
0x1c: {  	[tilespmem:s3], [sflag:$0x1] =	stream.linear.gather [hbm4b:s14+s3], $0x3E8, $0x38;
	[tilespmem:$0x121F0] =	vst v63  }
0x1d: {  	_ =	swait.ge [sflag:s11], $0x3E8  }
0x1e: {  	[sflag:s11] =	ssyncset.done $0x0  }
0x1f: {  	[sflag:s11] =	ssyncadd.s32 $0xFFFFFC18  }
0x20: {  	[tilespmem:s12], [sflag:$0x1] =	stream.linear.gather [hbm4b:s8+s3], $0x7D00, $0x38;
	[tilespmem:$0x121F0] =	vst v63  }
0x21: {  	_ =	swait.ge [sflag:s11], $0x7D00  }
0x22: {  	[sflag:s11] =	ssyncset.done $0x0  }
0x23: {  	[sflag:s11] =	ssyncadd.s32 $0xFFFF8300  }
0x24: {  	v1 =	vld [tilespmem:$0x3E0];
	_ =	sdelay $0x4  }
0x25: {  	v1 =	vnsel vm0, $0x2720, v1  }
0x26: {  	[tilespmem:$0x3E0] =	vst v1  }
0x27: {  	[spmem:s1] =	stream.indirect.scatter.add.f32 [tilespmem:s12], [sflag:$0x1], $0x20, s3, s12, $0xb8;
	[tilespmem:$0x121F0] =	vst v63  }
0x28: {  	s15 =	simm.s32 $0x7D;
	_ =	swait.ge [sflag:s11], $0x7E00  }
0x29: {  	s16 =	simm.s32 $0xFA;
	s14 =	sadd.s32 $0xFA0, s8;
	[sflag:s11] =	ssyncset.done $0x0  }
.LBB2_4:
0x2a: {  	s17 =	sadd.s32 s15, s9  }
0x2b: {  	[sflag:s11] =	ssyncadd.s32 $0xFFFF8200;
	s15 =	smov.u32 s16;
	s18 =	sadd.s32 $0x7D, s16  }
0x2c: {  	[tilespmem:s3], [sflag:$0x1] =	stream.linear.gather [hbm4b:s17+s3], $0x3E8, $0x38;
	[tilespmem:$0x121F0] =	vst v63  }
0x2d: {  	p0 =	sne.s32 s16, $0x1F4;
	_ =	swait.ge [sflag:s11], $0x3E8  }
0x2e: {  	[sflag:s11] =	ssyncset.done $0x0  }
0x2f: {  	[sflag:s11] =	ssyncadd.s32 $0xFFFFFC18  }
0x30: {  	[tilespmem:s12], [sflag:$0x1] =	stream.linear.gather [hbm4b:s14+s3], $0x7D00, $0x38;
	[tilespmem:$0x121F0] =	vst v63  }
0x31: {  	_ =	swait.ge [sflag:s11], $0x7D00  }
0x32: {  	[sflag:s11] =	ssyncset.done $0x0  }
0x33: {  	[sflag:s11] =	ssyncadd.s32 $0xFFFF8300  }
0x34: {  	v1 =	vld [tilespmem:$0x3E0];
	_ =	sdelay $0x4  }
.Ltmp1:
0x35: {  	v1 =	vnsel vm0, $0x2720, v1;
	(pc) =	sbr.rel @p0 .LBB2_4-.Ltmp1, $4  }
0x36: {  	[tilespmem:$0x3E0] =	vst v1  }
0x37: {  	[spmem:s1] =	stream.indirect.scatter.add.f32 [tilespmem:s12], [sflag:$0x1], $0x20, s3, s12, $0xb8;
	[tilespmem:$0x121F0] =	vst v63  }
0x38: {  	_ =	swait.ge [sflag:s11], $0x7E00  }
0x39: {  	s16 =	smov.u32 s18;
	s14 =	sadd.s32 $0xFA0, s14;
	[sflag:s11] =	ssyncset.done $0x0  }
0x3a: {  	s15 =	sadd.s32 s15, s9;
	[sflag:s11] =	ssyncadd.s32 $0xFFFF8200  }
0x3b: {  	[tilespmem:s3], [sflag:$0x1] =	stream.linear.gather [hbm4b:s15+s3], $0x3E8, $0x38;
	[tilespmem:$0x121F0] =	vst v63  }
0x3c: {  	_ =	swait.ge [sflag:s11], $0x3E8  }
0x3d: {  	[sflag:s11] =	ssyncset.done $0x0  }
0x3e: {  	[sflag:s11] =	ssyncadd.s32 $0xFFFFFC18  }
0x3f: {  	[tilespmem:s12], [sflag:$0x1] =	stream.linear.gather [hbm4b:s14+s3], $0x7D00, $0x38;
	[tilespmem:$0x121F0] =	vst v63  }
0x40: {  	_ =	swait.ge [sflag:s11], $0x7D00  }
0x41: {  	[sflag:s11] =	ssyncset.done $0x0  }
0x42: {  	[sflag:s11] =	ssyncadd.s32 $0xFFFF8300  }
0x43: {  	v1 =	vld [tilespmem:$0x3E0];
	_ =	sdelay $0x4  }
0x44: {  	v1 =	vnsel vm0, $0x2720, v1  }
0x45: {  	[tilespmem:$0x3E0] =	vst v1  }
0x46: {  	[spmem:s1] =	stream.indirect.scatter.add.f32 [tilespmem:s12], [sflag:$0x1], $0x20, s3, s12, $0xb8;
	[tilespmem:$0x121F0] =	vst v63  }
0x47: {  	_ =	swait.ge [sflag:s11], $0x7E00  }
0x48: {  	[sflag:s11] =	ssyncset.done $0x0  }
0x49: {  	[sflag:s11] =	ssyncadd.s32 $0xFFFF8200  }
0x4a: {  	[bflag:$0x0] =	sbarrier.arrive $0xFFFF  }
0x4b: {  	[tilespmem:s10], [sflag:$0x1] =	stream.linear.gather [spmem:s5], $0x4E20, $0x38;
	[tilespmem:$0x121F0] =	vst v63  }
0x4c: {  	s13 =	sadd.s32 $0x1, s13;
	_ =	swait.ge [sflag:s11], $0x4E20  }
0x4d: {  	p0 =	sne.s32 s13, s7;
	[sflag:s11] =	ssyncset.done $0x0  }
.Ltmp2:
0x4e: {  	[sflag:s11] =	ssyncadd.s32 $0xFFFFB1E0;
	(pc) =	sbr.rel @p0 .LBB2_1-.Ltmp2, $4  }
0x4f: {  	[hbm4b:s6+s3] =	stream.linear.scatter [tilespmem:s10], [sflag:$0x1], $0x4E20, $0x38;
	[tilespmem:$0x121F0] =	vst v63  }
0x50: {  	_ =	swait.ge [sflag:s11], $0x4E20  }
0x51: {  	[sflag:s11] =	ssyncset.done $0x0  }
0x52: {  	[sflag:s11] =	ssyncadd.s32 $0xFFFFB1E0  }
0x53: {  	_ =	sfence.sel $0x180000  }
0x54: {  	[bflag:$0x0] =	sbarrier.arrive $0xFFFF  }
0x55: {  	p0 =	sne.s32 s2, $0x0;
	_ =	strace $0x9000004A  }
0x56: {  	s0 =	sadd.s32 @!p0 $0x100000, s0;
	[bflag:$0x2] =	sbarrier.arrive $0xFFFF  }
0x57: {  	[sflag:s0] =	ssyncadd.tile.s32 @!p0 $0x1;
	_ =	shalt  }
.Lfunc_end2:
_tile_overlayer_lowered:
.L_overlay_start_2:
0x58: {  	(tag) =	ssettag $0x2  }
0x59: {  	s0 =	rddreg [dreg:$0x0];
	s2 =	stileid.u32  }
0x5a: {  	s1 =	rddreg [dreg:$0x1];
	p0 =	sne.s32 s2, $0x0  }
0x5b: {  	s3 =	rddreg [dreg:$0x2];
	[bflag:$0x3] =	sbarrier.arrive $0xFFFF;
	s2 =	simm.s32 @!p0 $0x1C01  }
0x5c: {  	[timem:s3], [sflag:s2] =	dma.local @!p0 [hbm:s0], s1  }
0x5d: {  	s0 =	simm.s32 @!p0 $0x1  }
0x5e: {  	_ =	swait.ge @!p0 [sflag:s0], s1  }
0x5f: {  	s1 =	ssub.s32 @!p0 $0x0, s1;
	[sflag:s0] =	ssyncset.done @!p0 $0x0  }
0x60: {  	[sflag:s0] =	ssyncadd.s32 @!p0 s1  }
0x61: {  	[bflag:$0x3] =	sbarrier.arrive $0xFFFF  }
0x62: {  	_ =	shalt  }

</sc_bundles>
